<compile_context>
chip_gen: v7x
topology: tpu7x:2x2x1
jax: 0.10.2.dev20260603
libtpu: 0.0.44.dev20260713+nightly
codegen_flags: <defaults>
</compile_context>

<pallas_src>
import jax
import jax.numpy as jnp
from jax import lax
from jax.experimental import pallas as pl
from jax.experimental.pallas import tpu as pltpu
from jax.experimental.pallas import tpu_sc as plsc

_NUM_CLASSES = 20
_IGNORE = 255
_EOS = 0.1
_W_CE, _W_DICE, _W_MASK = 2.0, 5.0, 5.0
_B, _Q, _N, _NI, _P = 2, 100, 65536, 20, 4096

_NC, _NS, _L = 2, 16, 16
_NW = _NC * _NS
_PTS = _B * _P
_TASKS = _B * _NI
_ALL = 2 * _TASKS


def _sc_body(pred_hbm, tm_hbm, idx_hbm, out_lg, out_tv,
             idxb_l, trow_l, outb_l):
    c = lax.axis_index("c")
    s = lax.axis_index("s")
    w = s * _NC + c

    def run(t):
        tt = t % _TASKS
        bb = tt // _NI
        ii = tt % _NI
        pltpu.sync_copy(idx_hbm.at[pl.ds(bb * _P, _P)], idxb_l)

        @pl.when(t < _TASKS)
        def _():
            pltpu.sync_copy(pred_hbm.at[pl.ds(tt * _N, _N)], trow_l)

        @pl.when(t >= _TASKS)
        def _():
            pltpu.sync_copy(tm_hbm.at[bb, ii], trow_l)

        def g(j, carry):
            for u in range(4):
                o = j * 4 * _L + u * _L
                iv = idxb_l[pl.ds(o, _L)]
                outb_l[pl.ds(o, _L)] = plsc.load_gather(trow_l, [iv])
            return carry

        lax.fori_loop(0, _P // (4 * _L), g, 0)

        @pl.when(t < _TASKS)
        def _():
            pltpu.sync_copy(outb_l, out_lg.at[pl.ds(tt * _P, _P)])

        @pl.when(t >= _TASKS)
        def _():
            pltpu.sync_copy(outb_l, out_tv.at[pl.ds(tt * _P, _P)])

    run(w)
    run(w + _NW)

    @pl.when(w < _ALL - 2 * _NW)
    def _():
        run(w + 2 * _NW)


def _sc_gather(pred_t1d, tm_3d, idx_flat):
    mesh = plsc.VectorSubcoreMesh(core_axis_name="c", subcore_axis_name="s",
                                  num_cores=_NC, num_subcores=_NS)
    f32 = jnp.float32
    return pl.kernel(
        _sc_body,
        out_type=(jax.ShapeDtypeStruct((_TASKS * _P,), f32),
                  jax.ShapeDtypeStruct((_TASKS * _P,), f32)),
        mesh=mesh,
        compiler_params=pltpu.CompilerParams(needs_layout_passes=False),
        scratch_types=[
            pltpu.VMEM((_P,), jnp.int32),
            pltpu.VMEM((_N,), f32),
            pltpu.VMEM((_P,), f32),
        ],
    )(pred_t1d, tm_3d, idx_flat)


def _tc_loss_body(x_ref, tv_ref, lg_ref, ftc_ref, out_ref):
    f32 = jnp.float32
    x = x_ref[...]
    y = (tv_ref[...] > 0.5).astype(f32)
    nm = float(_B * _NI)

    bce = jnp.maximum(x, 0.0) - x * y + jnp.log1p(jnp.exp(-jnp.abs(x)))
    loss_mask = jnp.sum(bce) / (float(_P) * nm)

    sg = 1.0 / (1.0 + jnp.exp(-x))
    rows = _TASKS
    num = 2.0 * jnp.sum((sg * y).reshape(rows, _P // 128, 128), axis=(1, 2))
    den = (jnp.sum(sg.reshape(rows, _P // 128, 128), axis=(1, 2))
           + jnp.sum(y.reshape(rows, _P // 128, 128), axis=(1, 2)))
    loss_dice = jnp.sum(1.0 - (num + 1.0) / (den + 1.0)) / nm

    lg = jnp.clip(lg_ref[...], -100.0, 100.0)
    m = jnp.max(lg, axis=-1, keepdims=True)
    lse = m + jnp.log(jnp.sum(jnp.exp(lg - m), axis=-1, keepdims=True))
    logp = lg - lse
    ftc = ftc_ref[...]
    cio = lax.broadcasted_iota(jnp.int32, (_B * _Q, _NUM_CLASSES + 1), 1)
    nll = -jnp.sum(jnp.where(cio == ftc, logp, 0.0), axis=-1, keepdims=True)
    wgt = jnp.where(ftc == 0, 0.0,
                    jnp.where(ftc == _NUM_CLASSES, _EOS, 1.0))
    wv = wgt * (ftc != _IGNORE).astype(f32)
    loss_ce = jnp.sum(wv * nll) / jnp.maximum(jnp.sum(wv), 1e-8)

    li = lax.broadcasted_iota(jnp.int32, (8, 128), 1)
    out_ref[...] = jnp.where(
        li == 0, loss_ce * _W_CE,
        jnp.where(li == 1, loss_dice * _W_DICE,
                  jnp.where(li == 2, loss_mask * _W_MASK, 0.0)))


def kernel(pred_logits, pred_masks, target_classes, target_masks, mask_indices):
    f32 = jnp.float32
    pred_t1d = jnp.transpose(pred_masks[:, :, :_NI],
                             (0, 2, 1)).reshape(_TASKS * _N)
    idx_flat = jnp.clip(mask_indices.astype(jnp.int32), 0, _N - 1).reshape(_PTS)

    logits_1d, tvals_1d = _sc_gather(pred_t1d, target_masks, idx_flat)

    full_tc = jnp.full((_B, _Q), _NUM_CLASSES, jnp.int32)
    full_tc = full_tc.at[:, :_NI].set(target_classes.astype(jnp.int32))
    ftc2d = full_tc.reshape(_B * _Q, 1)
    lg2d = pred_logits.astype(f32).reshape(_B * _Q, _NUM_CLASSES + 1)

    out = pl.pallas_call(
        _tc_loss_body,
        out_shape=jax.ShapeDtypeStruct((8, 128), f32),
    )(logits_1d.reshape(_TASKS * _P // 128, 128),
      tvals_1d.reshape(_TASKS * _P // 128, 128),
      lg2d, ftc2d)
    return out[0, :3]

# --- scband reference (transcript-rebuilt; emitter-appended) ---
"""Pipeline reference for scband-enhanced-mask-loss-66889820668476 (READ-ONLY COPY).

The authoritative reference and input builder live on the scoring server;
editing this copy changes nothing except your own understanding.
"""

import jax, jax.numpy as jnp
import numpy as np

NUM_CLASSES = 20
IGNORE_LABEL = 255
EOS_COEF = 0.1
W_CE, W_DICE, W_MASK = 2.0, 5.0, 5.0
B, Q, N, NI, P = 2, 100, 65536, 20, 4096


def setup_inputs(seed: int = 0) -> dict:
    key = jax.random.key(seed)
    k1, k2, k3, k4, k5 = jax.random.split(key, 5)
    pred_logits = jax.random.normal(k1, (B, Q, NUM_CLASSES + 1), dtype=jnp.float32)
    pred_masks = jax.random.normal(k2, (B, N, Q), dtype=jnp.float32)
    target_classes = jax.random.randint(k3, (B, NI), 0, 20, dtype=jnp.int32)
    target_masks = jax.random.uniform(k4, (B, NI, N), dtype=jnp.float32)
    mask_indices = jax.random.randint(k5, (B, P), 0, N, dtype=jnp.int32)
    return {
        'pred_logits': pred_logits,
        'pred_masks': pred_masks,
        'target_classes': target_classes,
        'target_masks': target_masks,
        'mask_indices': mask_indices,
    }


def reference(pred_logits, pred_masks, target_classes, target_masks, mask_indices):
    # Deterministic stand-in for HungarianMatcher: identity matching
    # (query i in batch b matched to target instance i in batch b).
    Bq, Qq, C1 = pred_logits.shape
    NIi = target_classes.shape[1]
    num_masks = Bq * NIi

    # ---- loss_ce (weighted cross entropy with ignore_index) ----
    logits = jnp.clip(pred_logits.astype(jnp.float32), -100.0, 100.0)
    weights = jnp.ones((C1,), dtype=jnp.float32).at[0].set(0.0).at[-1].set(EOS_COEF)
    full_tc = jnp.full((Bq, Qq), NUM_CLASSES, dtype=jnp.int32)
    full_tc = full_tc.at[:, :NIi].set(target_classes.astype(jnp.int32))
    logp = jax.nn.log_softmax(logits, axis=-1)
    nll = -jnp.take_along_axis(logp, full_tc[..., None].astype(jnp.int32), axis=-1)[..., 0]
    w = weights[full_tc]
    valid = (full_tc != IGNORE_LABEL).astype(jnp.float32)
    loss_ce = jnp.sum(w * valid * nll) / jnp.maximum(jnp.sum(w * valid), 1e-8)

    # ---- loss_mask / loss_dice (point-sampled BCE + dice) ----
    pred_m = jnp.transpose(pred_masks, (0, 2, 1))[:, :NIi, :]  # pred_masks[b, :, q] for matched q -> [B, NI, N]
    tgt_m = (target_masks > 0.5).astype(jnp.float32)
    idx = jnp.clip(mask_indices, 0, pred_masks.shape[1] - 1).astype(jnp.int32)  # [B, P]
    point_logits = jnp.take_along_axis(pred_m, idx[:, None, :], axis=2)  # [B, NI, P]
    point_labels = jnp.take_along_axis(tgt_m, idx[:, None, :], axis=2)
    point_logits = point_logits.reshape(num_masks, -1)
    point_labels = point_labels.reshape(num_masks, -1)
    # binary_cross_entropy_with_logits, reduction='none'
    bce = jnp.maximum(point_logits, 0.0) - point_logits * point_labels + jnp.log1p(jnp.exp(-jnp.abs(point_logits)))
    loss_mask = bce.mean(axis=1).sum() / num_masks
    pred_sigmoid = jax.nn.sigmoid(point_logits)
    numerator = 2.0 * (pred_sigmoid * point_labels).sum(-1)
    denominator = pred_sigmoid.sum(-1) + point_labels.sum(-1)
    dice = 1.0 - (numerator + 1.0) / (denominator + 1.0)
    loss_dice = dice.sum() / num_masks

    # weight_dict application
    return jnp.stack([loss_ce * W_CE, loss_dice * W_DICE, loss_mask * W_MASK])

if __name__ == "__main__":
    import jax
    _d = setup_inputs()
    print(jax.jit(kernel)(*tuple(_d.values())))

</pallas_src>

<mosaic_0001>
#map = affine_map<(d0, d1) -> (0)>
#map1 = affine_map<(d0, d1) -> (0, 0, 0)>
module attributes {stable_mosaic.version = 14 : i64} {
  func.func @_sc_body(%arg0: i32, %arg1: i32, %arg2: memref<2621440xf32, #tpu.memory_space<hbm>>, %arg3: memref<2x20x65536xf32, #tpu.memory_space<hbm>>, %arg4: memref<8192xi32, #tpu.memory_space<hbm>>, %arg5: memref<163840xf32, #tpu.memory_space<hbm>>, %arg6: memref<163840xf32, #tpu.memory_space<hbm>>, %arg7: memref<4096xi32, #tpu.memory_space<vmem>>, %arg8: memref<65536xf32, #tpu.memory_space<vmem>>, %arg9: memref<4096xf32, #tpu.memory_space<vmem>>) attributes {dimension_semantics = [#tpu.dimension_semantics<core_parallel>, #tpu.dimension_semantics<subcore_parallel>], iteration_bounds = array<i64: 2, 16>, scalar_prefetch = 0 : i64, scratch_operands = 3 : i64, tpu.core_type = #tpu.core_type<sc_vector_subcore>, window_params = [{transform_indices = #map}, {transform_indices = #map1}, {transform_indices = #map}, {transform_indices = #map}, {transform_indices = #map}]} {
    %mul3A = arith.constant 2 : i32
    %mul3A_0 = arith.muli %arg1, %mul3A : i32
    %add3A = arith.addi %mul3A_0, %arg0 : i32
    %jit3A = arith.constant 40 : i32
    %eq3A = arith.constant 0 : i32
    %eq3A_1 = arith.cmpi eq, %jit3A, %eq3A : i32
    %jit3A_2 = arith.constant 1 : i32
    %select_n3A = arith.select %eq3A_1, %jit3A_2, %jit3A : i32
    %rem3A = arith.remsi %add3A, %select_n3A : i32
    %ne3A = arith.constant 0 : i32
    %ne3A_3 = arith.cmpi ne, %rem3A, %ne3A : i32
    %lt3A = arith.constant 0 : i32
    %lt3A_4 = arith.cmpi slt, %rem3A, %lt3A : i32
    %lt3A_5 = arith.constant 0 : i32
    %lt3A_6 = arith.cmpi slt, %select_n3A, %lt3A_5 : i32
    %ne3A_7 = arith.xori %lt3A_4, %lt3A_6 : i1
    %and3A = arith.andi %ne3A_7, %ne3A_3 : i1
    %add3A_8 = arith.addi %rem3A, %select_n3A : i32
    %select_n3A_9 = arith.select %and3A, %add3A_8, %rem3A : i32
    %jit3A_10 = arith.constant 20 : i32
    %div3A = arith.divsi %select_n3A_9, %jit3A_10 : i32
    %sign3A = arith.constant 0 : i32
    %sign3A_11 = arith.cmpi sgt, %select_n3A_9, %sign3A : i32
    %sign3A_12 = arith.extui %sign3A_11 : i1 to i32
    %sign3A_13 = arith.constant 0 : i32
    %sign3A_14 = arith.cmpi slt, %select_n3A_9, %sign3A_13 : i32
    %sign3A_15 = arith.extui %sign3A_14 : i1 to i32
    %sign3A_16 = arith.subi %sign3A_12, %sign3A_15 : i32
    %sign3A_17 = arith.constant 0 : i32
    %sign3A_18 = arith.cmpi sgt, %jit3A_10, %sign3A_17 : i32
    %sign3A_19 = arith.extui %sign3A_18 : i1 to i32
    %sign3A_20 = arith.constant 0 : i32
    %sign3A_21 = arith.cmpi slt, %jit3A_10, %sign3A_20 : i32
    %sign3A_22 = arith.extui %sign3A_21 : i1 to i32
    %sign3A_23 = arith.subi %sign3A_19, %sign3A_22 : i32
    %ne3A_24 = arith.cmpi ne, %sign3A_16, %sign3A_23 : i32
    %rem3A_25 = arith.remsi %select_n3A_9, %jit3A_10 : i32
    %ne3A_26 = arith.constant 0 : i32
    %ne3A_27 = arith.cmpi ne, %rem3A_25, %ne3A_26 : i32
    %and3A_28 = arith.andi %ne3A_24, %ne3A_27 : i1
    %sub3A = arith.constant 1 : i32
    %sub3A_29 = arith.subi %div3A, %sub3A : i32
    %select_n3A_30 = arith.select %and3A_28, %sub3A_29, %div3A : i32
    %jit3A_31 = arith.constant 20 : i32
    %eq3A_32 = arith.constant 0 : i32
    %eq3A_33 = arith.cmpi eq, %jit3A_31, %eq3A_32 : i32
    %jit3A_34 = arith.constant 1 : i32
    %select_n3A_35 = arith.select %eq3A_33, %jit3A_34, %jit3A_31 : i32
    %rem3A_36 = arith.remsi %select_n3A_9, %select_n3A_35 : i32
    %ne3A_37 = arith.constant 0 : i32
    %ne3A_38 = arith.cmpi ne, %rem3A_36, %ne3A_37 : i32
    %lt3A_39 = arith.constant 0 : i32
    %lt3A_40 = arith.cmpi slt, %rem3A_36, %lt3A_39 : i32
    %lt3A_41 = arith.constant 0 : i32
    %lt3A_42 = arith.cmpi slt, %select_n3A_35, %lt3A_41 : i32
    %ne3A_43 = arith.xori %lt3A_40, %lt3A_42 : i1
    %and3A_44 = arith.andi %ne3A_43, %ne3A_38 : i1
    %add3A_45 = arith.addi %rem3A_36, %select_n3A_35 : i32
    %select_n3A_46 = arith.select %and3A_44, %add3A_45, %rem3A_36 : i32
    %mul3A_47 = arith.constant 4096 : i32
    %mul3A_48 = arith.muli %select_n3A_30, %mul3A_47 : i32
    "tpu.region"() ({
      %run_scoped3A = tpu.sem_alloc : memref<!tpu.dma_semaphore, #tpu.memory_space<semaphore_mem>>
      %dma_start3A = tpu.memref_slice %arg4[%mul3A_48] : memref<8192xi32, #tpu.memory_space<hbm>> -> memref<4096xi32, #tpu.memory_space<hbm>>
      %dma_start3A_162 = tpu.memref_slice %arg4[%mul3A_48] : memref<8192xi32, #tpu.memory_space<hbm>> -> memref<4096xi32, #tpu.memory_space<hbm>>
      tpu.enqueue_dma source(%dma_start3A_162 : memref<4096xi32, #tpu.memory_space<hbm>>) target(%arg7 : memref<4096xi32, #tpu.memory_space<vmem>>) target_semaphore(%run_scoped3A : memref<!tpu.dma_semaphore, #tpu.memory_space<semaphore_mem>>)
      %dma_wait3A = tpu.memref_slice %arg4[%mul3A_48] : memref<8192xi32, #tpu.memory_space<hbm>> -> memref<4096xi32, #tpu.memory_space<hbm>>
      %dma_wait3A_163 = tpu.memref_slice %arg4[%mul3A_48] : memref<8192xi32, #tpu.memory_space<hbm>> -> memref<4096xi32, #tpu.memory_space<hbm>>
      tpu.wait_dma2 semaphore(%run_scoped3A : memref<!tpu.dma_semaphore, #tpu.memory_space<semaphore_mem>>) src(%dma_wait3A_163 : memref<4096xi32, #tpu.memory_space<hbm>>) dst(%arg7 : memref<4096xi32, #tpu.memory_space<vmem>>)
      tpu.yield
    }) : () -> ()
    %lt3A_49 = arith.constant 40 : i32
    %lt3A_50 = arith.cmpi slt, %add3A, %lt3A_49 : i32
    %convert_element_type3A = arith.extui %lt3A_50 : i1 to i32
    %cond3A = arith.constant 0 : i32
    %cond3A_51 = arith.cmpi ne, %convert_element_type3A, %cond3A : i32
    scf.if %cond3A_51 {
      %mul3A_162 = arith.constant 65536 : i32
      %mul3A_163 = arith.muli %select_n3A_9, %mul3A_162 : i32
      "tpu.region"() ({
        %run_scoped3A = tpu.sem_alloc : memref<!tpu.dma_semaphore, #tpu.memory_space<semaphore_mem>>
        %dma_start3A = tpu.memref_slice %arg2[%mul3A_163] : memref<2621440xf32, #tpu.memory_space<hbm>> -> memref<65536xf32, #tpu.memory_space<hbm>>
        %dma_start3A_164 = tpu.memref_slice %arg2[%mul3A_163] : memref<2621440xf32, #tpu.memory_space<hbm>> -> memref<65536xf32, #tpu.memory_space<hbm>>
        tpu.enqueue_dma source(%dma_start3A_164 : memref<65536xf32, #tpu.memory_space<hbm>>) target(%arg8 : memref<65536xf32, #tpu.memory_space<vmem>>) target_semaphore(%run_scoped3A : memref<!tpu.dma_semaphore, #tpu.memory_space<semaphore_mem>>)
        %dma_wait3A = tpu.memref_slice %arg2[%mul3A_163] : memref<2621440xf32, #tpu.memory_space<hbm>> -> memref<65536xf32, #tpu.memory_space<hbm>>
        %dma_wait3A_165 = tpu.memref_slice %arg2[%mul3A_163] : memref<2621440xf32, #tpu.memory_space<hbm>> -> memref<65536xf32, #tpu.memory_space<hbm>>
        tpu.wait_dma2 semaphore(%run_scoped3A : memref<!tpu.dma_semaphore, #tpu.memory_space<semaphore_mem>>) src(%dma_wait3A_165 : memref<65536xf32, #tpu.memory_space<hbm>>) dst(%arg8 : memref<65536xf32, #tpu.memory_space<vmem>>)
        tpu.yield
      }) : () -> ()
    } else {
    }
    %ge3A = arith.constant 40 : i32
    %ge3A_52 = arith.cmpi sge, %add3A, %ge3A : i32
    %convert_element_type3A_53 = arith.extui %ge3A_52 : i1 to i32
    %cond3A_54 = arith.constant 0 : i32
    %cond3A_55 = arith.cmpi ne, %convert_element_type3A_53, %cond3A_54 : i32
    scf.if %cond3A_55 {
      "tpu.region"() ({
        %run_scoped3A = tpu.sem_alloc : memref<!tpu.dma_semaphore, #tpu.memory_space<semaphore_mem>>
        %dma_start3A = arith.constant 0 : i32
        %dma_start3A_162 = tpu.memref_slice %arg3[%select_n3A_30, %select_n3A_46, %dma_start3A] : memref<2x20x65536xf32, #tpu.memory_space<hbm>> -> memref<1x1x65536xf32, #tpu.memory_space<hbm>>
        %dma_start3A_163 = tpu.memref_squeeze %dma_start3A_162 : memref<1x1x65536xf32, #tpu.memory_space<hbm>> -> memref<65536xf32, #tpu.memory_space<hbm>>
        %dma_start3A_164 = arith.constant 0 : i32
        %dma_start3A_165 = tpu.memref_slice %arg3[%select_n3A_30, %select_n3A_46, %dma_start3A_164] : memref<2x20x65536xf32, #tpu.memory_space<hbm>> -> memref<1x1x65536xf32, #tpu.memory_space<hbm>>
        %dma_start3A_166 = tpu.memref_squeeze %dma_start3A_165 : memref<1x1x65536xf32, #tpu.memory_space<hbm>> -> memref<65536xf32, #tpu.memory_space<hbm>>
        tpu.enqueue_dma source(%dma_start3A_166 : memref<65536xf32, #tpu.memory_space<hbm>>) target(%arg8 : memref<65536xf32, #tpu.memory_space<vmem>>) target_semaphore(%run_scoped3A : memref<!tpu.dma_semaphore, #tpu.memory_space<semaphore_mem>>)
        %dma_wait3A = arith.constant 0 : i32
        %dma_wait3A_167 = tpu.memref_slice %arg3[%select_n3A_30, %select_n3A_46, %dma_wait3A] : memref<2x20x65536xf32, #tpu.memory_space<hbm>> -> memref<1x1x65536xf32, #tpu.memory_space<hbm>>
        %dma_wait3A_168 = tpu.memref_squeeze %dma_wait3A_167 : memref<1x1x65536xf32, #tpu.memory_space<hbm>> -> memref<65536xf32, #tpu.memory_space<hbm>>
        %dma_wait3A_169 = arith.constant 0 : i32
        %dma_wait3A_170 = tpu.memref_slice %arg3[%select_n3A_30, %select_n3A_46, %dma_wait3A_169] : memref<2x20x65536xf32, #tpu.memory_space<hbm>> -> memref<1x1x65536xf32, #tpu.memory_space<hbm>>
        %dma_wait3A_171 = tpu.memref_squeeze %dma_wait3A_170 : memref<1x1x65536xf32, #tpu.memory_space<hbm>> -> memref<65536xf32, #tpu.memory_space<hbm>>
        tpu.wait_dma2 semaphore(%run_scoped3A : memref<!tpu.dma_semaphore, #tpu.memory_space<semaphore_mem>>) src(%dma_wait3A_171 : memref<65536xf32, #tpu.memory_space<hbm>>) dst(%arg8 : memref<65536xf32, #tpu.memory_space<vmem>>)
        tpu.yield
      }) : () -> ()
    } else {
    }
    %scan3A = arith.constant 0 : i32
    %scan3A_56 = arith.constant 0 : i32
    %scan3A_57 = arith.constant 64 : i32
    %scan3A_58 = arith.addi %scan3A_56, %scan3A_57 : i32
    %scan3A_59 = arith.constant 1 : i32
    scf.for %scan3A_162 = %scan3A_56 to %scan3A_58 step %scan3A_59  : i32 {
      %mul3A_163 = arith.constant 4 : i32
      %mul3A_164 = arith.muli %scan3A_162, %mul3A_163 : i32
      %mul3A_165 = arith.constant 16 : i32
      %mul3A_166 = arith.muli %mul3A_164, %mul3A_165 : i32
      %add3A_167 = arith.constant 0 : i32
      %add3A_168 = arith.addi %mul3A_166, %add3A_167 : i32
      %get3A = arith.index_cast %add3A_168 : i32 to index
      %get3A_169 = tpu.vector_load %arg7[%get3A] {strides = array<i32>} : memref<4096xi32, #tpu.memory_space<vmem>>, vector<16xi32>,
      %gather3A = tpu.vector_load_idx %arg8[%get3A_169] : memref<65536xf32, #tpu.memory_space<vmem>>[vector<16xi32>], vector<16xf32>,
      %swap3A = arith.index_cast %add3A_168 : i32 to index
      %swap3A_170 = tpu.vector_load %arg9[%swap3A] {strides = array<i32>} : memref<4096xf32, #tpu.memory_space<vmem>>, vector<16xf32>,
      tpu.vector_store %arg9[%swap3A], %gather3A {strides = array<i32>} : memref<4096xf32, #tpu.memory_space<vmem>>, vector<16xf32>,
      %mul3A_171 = arith.constant 4 : i32
      %mul3A_172 = arith.muli %scan3A_162, %mul3A_171 : i32
      %mul3A_173 = arith.constant 16 : i32
      %mul3A_174 = arith.muli %mul3A_172, %mul3A_173 : i32
      %add3A_175 = arith.constant 16 : i32
      %add3A_176 = arith.addi %mul3A_174, %add3A_175 : i32
      %get3A_177 = arith.index_cast %add3A_176 : i32 to index
      %get3A_178 = tpu.vector_load %arg7[%get3A_177] {strides = array<i32>} : memref<4096xi32, #tpu.memory_space<vmem>>, vector<16xi32>,
      %gather3A_179 = tpu.vector_load_idx %arg8[%get3A_178] : memref<65536xf32, #tpu.memory_space<vmem>>[vector<16xi32>], vector<16xf32>,
      %swap3A_180 = arith.index_cast %add3A_176 : i32 to index
      %swap3A_181 = tpu.vector_load %arg9[%swap3A_180] {strides = array<i32>} : memref<4096xf32, #tpu.memory_space<vmem>>, vector<16xf32>,
      tpu.vector_store %arg9[%swap3A_180], %gather3A_179 {strides = array<i32>} : memref<4096xf32, #tpu.memory_space<vmem>>, vector<16xf32>,
      %mul3A_182 = arith.constant 4 : i32
      %mul3A_183 = arith.muli %scan3A_162, %mul3A_182 : i32
      %mul3A_184 = arith.constant 16 : i32
      %mul3A_185 = arith.muli %mul3A_183, %mul3A_184 : i32
      %add3A_186 = arith.constant 32 : i32
      %add3A_187 = arith.addi %mul3A_185, %add3A_186 : i32
      %get3A_188 = arith.index_cast %add3A_187 : i32 to index
      %get3A_189 = tpu.vector_load %arg7[%get3A_188] {strides = array<i32>} : memref<4096xi32, #tpu.memory_space<vmem>>, vector<16xi32>,
      %gather3A_190 = tpu.vector_load_idx %arg8[%get3A_189] : memref<65536xf32, #tpu.memory_space<vmem>>[vector<16xi32>], vector<16xf32>,
      %swap3A_191 = arith.index_cast %add3A_187 : i32 to index
      %swap3A_192 = tpu.vector_load %arg9[%swap3A_191] {strides = array<i32>} : memref<4096xf32, #tpu.memory_space<vmem>>, vector<16xf32>,
      tpu.vector_store %arg9[%swap3A_191], %gather3A_190 {strides = array<i32>} : memref<4096xf32, #tpu.memory_space<vmem>>, vector<16xf32>,
      %mul3A_193 = arith.constant 4 : i32
      %mul3A_194 = arith.muli %scan3A_162, %mul3A_193 : i32
      %mul3A_195 = arith.constant 16 : i32
      %mul3A_196 = arith.muli %mul3A_194, %mul3A_195 : i32
      %add3A_197 = arith.constant 48 : i32
      %add3A_198 = arith.addi %mul3A_196, %add3A_197 : i32
      %get3A_199 = arith.index_cast %add3A_198 : i32 to index
      %get3A_200 = tpu.vector_load %arg7[%get3A_199] {strides = array<i32>} : memref<4096xi32, #tpu.memory_space<vmem>>, vector<16xi32>,
      %gather3A_201 = tpu.vector_load_idx %arg8[%get3A_200] : memref<65536xf32, #tpu.memory_space<vmem>>[vector<16xi32>], vector<16xf32>,
      %swap3A_202 = arith.index_cast %add3A_198 : i32 to index
      %swap3A_203 = tpu.vector_load %arg9[%swap3A_202] {strides = array<i32>} : memref<4096xf32, #tpu.memory_space<vmem>>, vector<16xf32>,
      tpu.vector_store %arg9[%swap3A_202], %gather3A_201 {strides = array<i32>} : memref<4096xf32, #tpu.memory_space<vmem>>, vector<16xf32>,
    }
    %scan3A_60 = arith.constant 64 : i32
    %lt3A_61 = arith.constant 40 : i32
    %lt3A_62 = arith.cmpi slt, %add3A, %lt3A_61 : i32
    %convert_element_type3A_63 = arith.extui %lt3A_62 : i1 to i32
    %cond3A_64 = arith.constant 0 : i32
    %cond3A_65 = arith.cmpi ne, %convert_element_type3A_63, %cond3A_64 : i32
    scf.if %cond3A_65 {
      %mul3A_162 = arith.constant 4096 : i32
      %mul3A_163 = arith.muli %select_n3A_9, %mul3A_162 : i32
      "tpu.region"() ({
        %run_scoped3A = tpu.sem_alloc : memref<!tpu.dma_semaphore, #tpu.memory_space<semaphore_mem>>
        %dma_start3A = tpu.memref_slice %arg5[%mul3A_163] : memref<163840xf32, #tpu.memory_space<hbm>> -> memref<4096xf32, #tpu.memory_space<hbm>>
        %dma_start3A_164 = tpu.memref_slice %arg5[%mul3A_163] : memref<163840xf32, #tpu.memory_space<hbm>> -> memref<4096xf32, #tpu.memory_space<hbm>>
        tpu.enqueue_dma source(%arg9 : memref<4096xf32, #tpu.memory_space<vmem>>) target(%dma_start3A_164 : memref<4096xf32, #tpu.memory_space<hbm>>) target_semaphore(%run_scoped3A : memref<!tpu.dma_semaphore, #tpu.memory_space<semaphore_mem>>)
        %dma_wait3A = tpu.memref_slice %arg5[%mul3A_163] : memref<163840xf32, #tpu.memory_space<hbm>> -> memref<4096xf32, #tpu.memory_space<hbm>>
        %dma_wait3A_165 = tpu.memref_slice %arg5[%mul3A_163] : memref<163840xf32, #tpu.memory_space<hbm>> -> memref<4096xf32, #tpu.memory_space<hbm>>
        tpu.wait_dma2 semaphore(%run_scoped3A : memref<!tpu.dma_semaphore, #tpu.memory_space<semaphore_mem>>) src(%arg9 : memref<4096xf32, #tpu.memory_space<vmem>>) dst(%dma_wait3A_165 : memref<4096xf32, #tpu.memory_space<hbm>>)
        tpu.yield
      }) : () -> ()
    } else {
    }
    %ge3A_66 = arith.constant 40 : i32
    %ge3A_67 = arith.cmpi sge, %add3A, %ge3A_66 : i32
    %convert_element_type3A_68 = arith.extui %ge3A_67 : i1 to i32
    %cond3A_69 = arith.constant 0 : i32
    %cond3A_70 = arith.cmpi ne, %convert_element_type3A_68, %cond3A_69 : i32
    scf.if %cond3A_70 {
      %mul3A_162 = arith.constant 4096 : i32
      %mul3A_163 = arith.muli %select_n3A_9, %mul3A_162 : i32
      "tpu.region"() ({
        %run_scoped3A = tpu.sem_alloc : memref<!tpu.dma_semaphore, #tpu.memory_space<semaphore_mem>>
        %dma_start3A = tpu.memref_slice %arg6[%mul3A_163] : memref<163840xf32, #tpu.memory_space<hbm>> -> memref<4096xf32, #tpu.memory_space<hbm>>
        %dma_start3A_164 = tpu.memref_slice %arg6[%mul3A_163] : memref<163840xf32, #tpu.memory_space<hbm>> -> memref<4096xf32, #tpu.memory_space<hbm>>
        tpu.enqueue_dma source(%arg9 : memref<4096xf32, #tpu.memory_space<vmem>>) target(%dma_start3A_164 : memref<4096xf32, #tpu.memory_space<hbm>>) target_semaphore(%run_scoped3A : memref<!tpu.dma_semaphore, #tpu.memory_space<semaphore_mem>>)
        %dma_wait3A = tpu.memref_slice %arg6[%mul3A_163] : memref<163840xf32, #tpu.memory_space<hbm>> -> memref<4096xf32, #tpu.memory_space<hbm>>
        %dma_wait3A_165 = tpu.memref_slice %arg6[%mul3A_163] : memref<163840xf32, #tpu.memory_space<hbm>> -> memref<4096xf32, #tpu.memory_space<hbm>>
        tpu.wait_dma2 semaphore(%run_scoped3A : memref<!tpu.dma_semaphore, #tpu.memory_space<semaphore_mem>>) src(%arg9 : memref<4096xf32, #tpu.memory_space<vmem>>) dst(%dma_wait3A_165 : memref<4096xf32, #tpu.memory_space<hbm>>)
        tpu.yield
      }) : () -> ()
    } else {
    }
    %add3A_71 = arith.constant 32 : i32
    %add3A_72 = arith.addi %add3A, %add3A_71 : i32
    %jit3A_73 = arith.constant 40 : i32
    %eq3A_74 = arith.constant 0 : i32
    %eq3A_75 = arith.cmpi eq, %jit3A_73, %eq3A_74 : i32
    %jit3A_76 = arith.constant 1 : i32
    %select_n3A_77 = arith.select %eq3A_75, %jit3A_76, %jit3A_73 : i32
    %rem3A_78 = arith.remsi %add3A_72, %select_n3A_77 : i32
    %ne3A_79 = arith.constant 0 : i32
    %ne3A_80 = arith.cmpi ne, %rem3A_78, %ne3A_79 : i32
    %lt3A_81 = arith.constant 0 : i32
    %lt3A_82 = arith.cmpi slt, %rem3A_78, %lt3A_81 : i32
    %lt3A_83 = arith.constant 0 : i32
    %lt3A_84 = arith.cmpi slt, %select_n3A_77, %lt3A_83 : i32
    %ne3A_85 = arith.xori %lt3A_82, %lt3A_84 : i1
    %and3A_86 = arith.andi %ne3A_85, %ne3A_80 : i1
    %add3A_87 = arith.addi %rem3A_78, %select_n3A_77 : i32
    %select_n3A_88 = arith.select %and3A_86, %add3A_87, %rem3A_78 : i32
    %jit3A_89 = arith.constant 20 : i32
    %div3A_90 = arith.divsi %select_n3A_88, %jit3A_89 : i32
    %sign3A_91 = arith.constant 0 : i32
    %sign3A_92 = arith.cmpi sgt, %select_n3A_88, %sign3A_91 : i32
    %sign3A_93 = arith.extui %sign3A_92 : i1 to i32
    %sign3A_94 = arith.constant 0 : i32
    %sign3A_95 = arith.cmpi slt, %select_n3A_88, %sign3A_94 : i32
    %sign3A_96 = arith.extui %sign3A_95 : i1 to i32
    %sign3A_97 = arith.subi %sign3A_93, %sign3A_96 : i32
    %sign3A_98 = arith.constant 0 : i32
    %sign3A_99 = arith.cmpi sgt, %jit3A_89, %sign3A_98 : i32
    %sign3A_100 = arith.extui %sign3A_99 : i1 to i32
    %sign3A_101 = arith.constant 0 : i32
    %sign3A_102 = arith.cmpi slt, %jit3A_89, %sign3A_101 : i32
    %sign3A_103 = arith.extui %sign3A_102 : i1 to i32
    %sign3A_104 = arith.subi %sign3A_100, %sign3A_103 : i32
    %ne3A_105 = arith.cmpi ne, %sign3A_97, %sign3A_104 : i32
    %rem3A_106 = arith.remsi %select_n3A_88, %jit3A_89 : i32
    %ne3A_107 = arith.constant 0 : i32
    %ne3A_108 = arith.cmpi ne, %rem3A_106, %ne3A_107 : i32
    %and3A_109 = arith.andi %ne3A_105, %ne3A_108 : i1
    %sub3A_110 = arith.constant 1 : i32
    %sub3A_111 = arith.subi %div3A_90, %sub3A_110 : i32
    %select_n3A_112 = arith.select %and3A_109, %sub3A_111, %div3A_90 : i32
    %jit3A_113 = arith.constant 20 : i32
    %eq3A_114 = arith.constant 0 : i32
    %eq3A_115 = arith.cmpi eq, %jit3A_113, %eq3A_114 : i32
    %jit3A_116 = arith.constant 1 : i32
    %select_n3A_117 = arith.select %eq3A_115, %jit3A_116, %jit3A_113 : i32
    %rem3A_118 = arith.remsi %select_n3A_88, %select_n3A_117 : i32
    %ne3A_119 = arith.constant 0 : i32
    %ne3A_120 = arith.cmpi ne, %rem3A_118, %ne3A_119 : i32
    %lt3A_121 = arith.constant 0 : i32
    %lt3A_122 = arith.cmpi slt, %rem3A_118, %lt3A_121 : i32
    %lt3A_123 = arith.constant 0 : i32
    %lt3A_124 = arith.cmpi slt, %select_n3A_117, %lt3A_123 : i32
    %ne3A_125 = arith.xori %lt3A_122, %lt3A_124 : i1
    %and3A_126 = arith.andi %ne3A_125, %ne3A_120 : i1
    %add3A_127 = arith.addi %rem3A_118, %select_n3A_117 : i32
    %select_n3A_128 = arith.select %and3A_126, %add3A_127, %rem3A_118 : i32
    %mul3A_129 = arith.constant 4096 : i32
    %mul3A_130 = arith.muli %select_n3A_112, %mul3A_129 : i32
    "tpu.region"() ({
      %run_scoped3A = tpu.sem_alloc : memref<!tpu.dma_semaphore, #tpu.memory_space<semaphore_mem>>
      %dma_start3A = tpu.memref_slice %arg4[%mul3A_130] : memref<8192xi32, #tpu.memory_space<hbm>> -> memref<4096xi32, #tpu.memory_space<hbm>>
      %dma_start3A_162 = tpu.memref_slice %arg4[%mul3A_130] : memref<8192xi32, #tpu.memory_space<hbm>> -> memref<4096xi32, #tpu.memory_space<hbm>>
      tpu.enqueue_dma source(%dma_start3A_162 : memref<4096xi32, #tpu.memory_space<hbm>>) target(%arg7 : memref<4096xi32, #tpu.memory_space<vmem>>) target_semaphore(%run_scoped3A : memref<!tpu.dma_semaphore, #tpu.memory_space<semaphore_mem>>)
      %dma_wait3A = tpu.memref_slice %arg4[%mul3A_130] : memref<8192xi32, #tpu.memory_space<hbm>> -> memref<4096xi32, #tpu.memory_space<hbm>>
      %dma_wait3A_163 = tpu.memref_slice %arg4[%mul3A_130] : memref<8192xi32, #tpu.memory_space<hbm>> -> memref<4096xi32, #tpu.memory_space<hbm>>
      tpu.wait_dma2 semaphore(%run_scoped3A : memref<!tpu.dma_semaphore, #tpu.memory_space<semaphore_mem>>) src(%dma_wait3A_163 : memref<4096xi32, #tpu.memory_space<hbm>>) dst(%arg7 : memref<4096xi32, #tpu.memory_space<vmem>>)
      tpu.yield
    }) : () -> ()
    %lt3A_131 = arith.constant 40 : i32
    %lt3A_132 = arith.cmpi slt, %add3A_72, %lt3A_131 : i32
    %convert_element_type3A_133 = arith.extui %lt3A_132 : i1 to i32
    %cond3A_134 = arith.constant 0 : i32
    %cond3A_135 = arith.cmpi ne, %convert_element_type3A_133, %cond3A_134 : i32
    scf.if %cond3A_135 {
      %mul3A_162 = arith.constant 65536 : i32
      %mul3A_163 = arith.muli %select_n3A_88, %mul3A_162 : i32
      "tpu.region"() ({
        %run_scoped3A = tpu.sem_alloc : memref<!tpu.dma_semaphore, #tpu.memory_space<semaphore_mem>>
        %dma_start3A = tpu.memref_slice %arg2[%mul3A_163] : memref<2621440xf32, #tpu.memory_space<hbm>> -> memref<65536xf32, #tpu.memory_space<hbm>>
        %dma_start3A_164 = tpu.memref_slice %arg2[%mul3A_163] : memref<2621440xf32, #tpu.memory_space<hbm>> -> memref<65536xf32, #tpu.memory_space<hbm>>
        tpu.enqueue_dma source(%dma_start3A_164 : memref<65536xf32, #tpu.memory_space<hbm>>) target(%arg8 : memref<65536xf32, #tpu.memory_space<vmem>>) target_semaphore(%run_scoped3A : memref<!tpu.dma_semaphore, #tpu.memory_space<semaphore_mem>>)
        %dma_wait3A = tpu.memref_slice %arg2[%mul3A_163] : memref<2621440xf32, #tpu.memory_space<hbm>> -> memref<65536xf32, #tpu.memory_space<hbm>>
        %dma_wait3A_165 = tpu.memref_slice %arg2[%mul3A_163] : memref<2621440xf32, #tpu.memory_space<hbm>> -> memref<65536xf32, #tpu.memory_space<hbm>>
        tpu.wait_dma2 semaphore(%run_scoped3A : memref<!tpu.dma_semaphore, #tpu.memory_space<semaphore_mem>>) src(%dma_wait3A_165 : memref<65536xf32, #tpu.memory_space<hbm>>) dst(%arg8 : memref<65536xf32, #tpu.memory_space<vmem>>)
        tpu.yield
      }) : () -> ()
    } else {
    }
    %ge3A_136 = arith.constant 40 : i32
    %ge3A_137 = arith.cmpi sge, %add3A_72, %ge3A_136 : i32
    %convert_element_type3A_138 = arith.extui %ge3A_137 : i1 to i32
    %cond3A_139 = arith.constant 0 : i32
    %cond3A_140 = arith.cmpi ne, %convert_element_type3A_138, %cond3A_139 : i32
    scf.if %cond3A_140 {
      "tpu.region"() ({
        %run_scoped3A = tpu.sem_alloc : memref<!tpu.dma_semaphore, #tpu.memory_space<semaphore_mem>>
        %dma_start3A = arith.constant 0 : i32
        %dma_start3A_162 = tpu.memref_slice %arg3[%select_n3A_112, %select_n3A_128, %dma_start3A] : memref<2x20x65536xf32, #tpu.memory_space<hbm>> -> memref<1x1x65536xf32, #tpu.memory_space<hbm>>
        %dma_start3A_163 = tpu.memref_squeeze %dma_start3A_162 : memref<1x1x65536xf32, #tpu.memory_space<hbm>> -> memref<65536xf32, #tpu.memory_space<hbm>>
        %dma_start3A_164 = arith.constant 0 : i32
        %dma_start3A_165 = tpu.memref_slice %arg3[%select_n3A_112, %select_n3A_128, %dma_start3A_164] : memref<2x20x65536xf32, #tpu.memory_space<hbm>> -> memref<1x1x65536xf32, #tpu.memory_space<hbm>>
        %dma_start3A_166 = tpu.memref_squeeze %dma_start3A_165 : memref<1x1x65536xf32, #tpu.memory_space<hbm>> -> memref<65536xf32, #tpu.memory_space<hbm>>
        tpu.enqueue_dma source(%dma_start3A_166 : memref<65536xf32, #tpu.memory_space<hbm>>) target(%arg8 : memref<65536xf32, #tpu.memory_space<vmem>>) target_semaphore(%run_scoped3A : memref<!tpu.dma_semaphore, #tpu.memory_space<semaphore_mem>>)
        %dma_wait3A = arith.constant 0 : i32
        %dma_wait3A_167 = tpu.memref_slice %arg3[%select_n3A_112, %select_n3A_128, %dma_wait3A] : memref<2x20x65536xf32, #tpu.memory_space<hbm>> -> memref<1x1x65536xf32, #tpu.memory_space<hbm>>
        %dma_wait3A_168 = tpu.memref_squeeze %dma_wait3A_167 : memref<1x1x65536xf32, #tpu.memory_space<hbm>> -> memref<65536xf32, #tpu.memory_space<hbm>>
        %dma_wait3A_169 = arith.constant 0 : i32
        %dma_wait3A_170 = tpu.memref_slice %arg3[%select_n3A_112, %select_n3A_128, %dma_wait3A_169] : memref<2x20x65536xf32, #tpu.memory_space<hbm>> -> memref<1x1x65536xf32, #tpu.memory_space<hbm>>
        %dma_wait3A_171 = tpu.memref_squeeze %dma_wait3A_170 : memref<1x1x65536xf32, #tpu.memory_space<hbm>> -> memref<65536xf32, #tpu.memory_space<hbm>>
        tpu.wait_dma2 semaphore(%run_scoped3A : memref<!tpu.dma_semaphore, #tpu.memory_space<semaphore_mem>>) src(%dma_wait3A_171 : memref<65536xf32, #tpu.memory_space<hbm>>) dst(%arg8 : memref<65536xf32, #tpu.memory_space<vmem>>)
        tpu.yield
      }) : () -> ()
    } else {
    }
    %scan3A_141 = arith.constant 0 : i32
    %scan3A_142 = arith.constant 0 : i32
    %scan3A_143 = arith.constant 64 : i32
    %scan3A_144 = arith.addi %scan3A_142, %scan3A_143 : i32
    %scan3A_145 = arith.constant 1 : i32
    scf.for %scan3A_162 = %scan3A_142 to %scan3A_144 step %scan3A_145  : i32 {
      %mul3A_163 = arith.constant 4 : i32
      %mul3A_164 = arith.muli %scan3A_162, %mul3A_163 : i32
      %mul3A_165 = arith.constant 16 : i32
      %mul3A_166 = arith.muli %mul3A_164, %mul3A_165 : i32
      %add3A_167 = arith.constant 0 : i32
      %add3A_168 = arith.addi %mul3A_166, %add3A_167 : i32
      %get3A = arith.index_cast %add3A_168 : i32 to index
      %get3A_169 = tpu.vector_load %arg7[%get3A] {strides = array<i32>} : memref<4096xi32, #tpu.memory_space<vmem>>, vector<16xi32>,
      %gather3A = tpu.vector_load_idx %arg8[%get3A_169] : memref<65536xf32, #tpu.memory_space<vmem>>[vector<16xi32>], vector<16xf32>,
      %swap3A = arith.index_cast %add3A_168 : i32 to index
      %swap3A_170 = tpu.vector_load %arg9[%swap3A] {strides = array<i32>} : memref<4096xf32, #tpu.memory_space<vmem>>, vector<16xf32>,
      tpu.vector_store %arg9[%swap3A], %gather3A {strides = array<i32>} : memref<4096xf32, #tpu.memory_space<vmem>>, vector<16xf32>,
      %mul3A_171 = arith.constant 4 : i32
      %mul3A_172 = arith.muli %scan3A_162, %mul3A_171 : i32
      %mul3A_173 = arith.constant 16 : i32
      %mul3A_174 = arith.muli %mul3A_172, %mul3A_173 : i32
      %add3A_175 = arith.constant 16 : i32
      %add3A_176 = arith.addi %mul3A_174, %add3A_175 : i32
      %get3A_177 = arith.index_cast %add3A_176 : i32 to index
      %get3A_178 = tpu.vector_load %arg7[%get3A_177] {strides = array<i32>} : memref<4096xi32, #tpu.memory_space<vmem>>, vector<16xi32>,
      %gather3A_179 = tpu.vector_load_idx %arg8[%get3A_178] : memref<65536xf32, #tpu.memory_space<vmem>>[vector<16xi32>], vector<16xf32>,
      %swap3A_180 = arith.index_cast %add3A_176 : i32 to index
      %swap3A_181 = tpu.vector_load %arg9[%swap3A_180] {strides = array<i32>} : memref<4096xf32, #tpu.memory_space<vmem>>, vector<16xf32>,
      tpu.vector_store %arg9[%swap3A_180], %gather3A_179 {strides = array<i32>} : memref<4096xf32, #tpu.memory_space<vmem>>, vector<16xf32>,
      %mul3A_182 = arith.constant 4 : i32
      %mul3A_183 = arith.muli %scan3A_162, %mul3A_182 : i32
      %mul3A_184 = arith.constant 16 : i32
      %mul3A_185 = arith.muli %mul3A_183, %mul3A_184 : i32
      %add3A_186 = arith.constant 32 : i32
      %add3A_187 = arith.addi %mul3A_185, %add3A_186 : i32
      %get3A_188 = arith.index_cast %add3A_187 : i32 to index
      %get3A_189 = tpu.vector_load %arg7[%get3A_188] {strides = array<i32>} : memref<4096xi32, #tpu.memory_space<vmem>>, vector<16xi32>,
      %gather3A_190 = tpu.vector_load_idx %arg8[%get3A_189] : memref<65536xf32, #tpu.memory_space<vmem>>[vector<16xi32>], vector<16xf32>,
      %swap3A_191 = arith.index_cast %add3A_187 : i32 to index
      %swap3A_192 = tpu.vector_load %arg9[%swap3A_191] {strides = array<i32>} : memref<4096xf32, #tpu.memory_space<vmem>>, vector<16xf32>,
      tpu.vector_store %arg9[%swap3A_191], %gather3A_190 {strides = array<i32>} : memref<4096xf32, #tpu.memory_space<vmem>>, vector<16xf32>,
      %mul3A_193 = arith.constant 4 : i32
      %mul3A_194 = arith.muli %scan3A_162, %mul3A_193 : i32
      %mul3A_195 = arith.constant 16 : i32
      %mul3A_196 = arith.muli %mul3A_194, %mul3A_195 : i32
      %add3A_197 = arith.constant 48 : i32
      %add3A_198 = arith.addi %mul3A_196, %add3A_197 : i32
      %get3A_199 = arith.index_cast %add3A_198 : i32 to index
      %get3A_200 = tpu.vector_load %arg7[%get3A_199] {strides = array<i32>} : memref<4096xi32, #tpu.memory_space<vmem>>, vector<16xi32>,
      %gather3A_201 = tpu.vector_load_idx %arg8[%get3A_200] : memref<65536xf32, #tpu.memory_space<vmem>>[vector<16xi32>], vector<16xf32>,
      %swap3A_202 = arith.index_cast %add3A_198 : i32 to index
      %swap3A_203 = tpu.vector_load %arg9[%swap3A_202] {strides = array<i32>} : memref<4096xf32, #tpu.memory_space<vmem>>, vector<16xf32>,
      tpu.vector_store %arg9[%swap3A_202], %gather3A_201 {strides = array<i32>} : memref<4096xf32, #tpu.memory_space<vmem>>, vector<16xf32>,
    }
    %scan3A_146 = arith.constant 64 : i32
    %lt3A_147 = arith.constant 40 : i32
    %lt3A_148 = arith.cmpi slt, %add3A_72, %lt3A_147 : i32
    %convert_element_type3A_149 = arith.extui %lt3A_148 : i1 to i32
    %cond3A_150 = arith.constant 0 : i32
    %cond3A_151 = arith.cmpi ne, %convert_element_type3A_149, %cond3A_150 : i32
    scf.if %cond3A_151 {
      %mul3A_162 = arith.constant 4096 : i32
      %mul3A_163 = arith.muli %select_n3A_88, %mul3A_162 : i32
      "tpu.region"() ({
        %run_scoped3A = tpu.sem_alloc : memref<!tpu.dma_semaphore, #tpu.memory_space<semaphore_mem>>
        %dma_start3A = tpu.memref_slice %arg5[%mul3A_163] : memref<163840xf32, #tpu.memory_space<hbm>> -> memref<4096xf32, #tpu.memory_space<hbm>>
        %dma_start3A_164 = tpu.memref_slice %arg5[%mul3A_163] : memref<163840xf32, #tpu.memory_space<hbm>> -> memref<4096xf32, #tpu.memory_space<hbm>>
        tpu.enqueue_dma source(%arg9 : memref<4096xf32, #tpu.memory_space<vmem>>) target(%dma_start3A_164 : memref<4096xf32, #tpu.memory_space<hbm>>) target_semaphore(%run_scoped3A : memref<!tpu.dma_semaphore, #tpu.memory_space<semaphore_mem>>)
        %dma_wait3A = tpu.memref_slice %arg5[%mul3A_163] : memref<163840xf32, #tpu.memory_space<hbm>> -> memref<4096xf32, #tpu.memory_space<hbm>>
        %dma_wait3A_165 = tpu.memref_slice %arg5[%mul3A_163] : memref<163840xf32, #tpu.memory_space<hbm>> -> memref<4096xf32, #tpu.memory_space<hbm>>
        tpu.wait_dma2 semaphore(%run_scoped3A : memref<!tpu.dma_semaphore, #tpu.memory_space<semaphore_mem>>) src(%arg9 : memref<4096xf32, #tpu.memory_space<vmem>>) dst(%dma_wait3A_165 : memref<4096xf32, #tpu.memory_space<hbm>>)
        tpu.yield
      }) : () -> ()
    } else {
    }
    %ge3A_152 = arith.constant 40 : i32
    %ge3A_153 = arith.cmpi sge, %add3A_72, %ge3A_152 : i32
    %convert_element_type3A_154 = arith.extui %ge3A_153 : i1 to i32
    %cond3A_155 = arith.constant 0 : i32
    %cond3A_156 = arith.cmpi ne, %convert_element_type3A_154, %cond3A_155 : i32
    scf.if %cond3A_156 {
      %mul3A_162 = arith.constant 4096 : i32
      %mul3A_163 = arith.muli %select_n3A_88, %mul3A_162 : i32
      "tpu.region"() ({
        %run_scoped3A = tpu.sem_alloc : memref<!tpu.dma_semaphore, #tpu.memory_space<semaphore_mem>>
        %dma_start3A = tpu.memref_slice %arg6[%mul3A_163] : memref<163840xf32, #tpu.memory_space<hbm>> -> memref<4096xf32, #tpu.memory_space<hbm>>
        %dma_start3A_164 = tpu.memref_slice %arg6[%mul3A_163] : memref<163840xf32, #tpu.memory_space<hbm>> -> memref<4096xf32, #tpu.memory_space<hbm>>
        tpu.enqueue_dma source(%arg9 : memref<4096xf32, #tpu.memory_space<vmem>>) target(%dma_start3A_164 : memref<4096xf32, #tpu.memory_space<hbm>>) target_semaphore(%run_scoped3A : memref<!tpu.dma_semaphore, #tpu.memory_space<semaphore_mem>>)
        %dma_wait3A = tpu.memref_slice %arg6[%mul3A_163] : memref<163840xf32, #tpu.memory_space<hbm>> -> memref<4096xf32, #tpu.memory_space<hbm>>
        %dma_wait3A_165 = tpu.memref_slice %arg6[%mul3A_163] : memref<163840xf32, #tpu.memory_space<hbm>> -> memref<4096xf32, #tpu.memory_space<hbm>>
        tpu.wait_dma2 semaphore(%run_scoped3A : memref<!tpu.dma_semaphore, #tpu.memory_space<semaphore_mem>>) src(%arg9 : memref<4096xf32, #tpu.memory_space<vmem>>) dst(%dma_wait3A_165 : memref<4096xf32, #tpu.memory_space<hbm>>)
        tpu.yield
      }) : () -> ()
    } else {
    }
    %lt3A_157 = arith.constant 16 : i32
    %lt3A_158 = arith.cmpi slt, %add3A, %lt3A_157 : i32
    %convert_element_type3A_159 = arith.extui %lt3A_158 : i1 to i32
    %cond3A_160 = arith.constant 0 : i32
    %cond3A_161 = arith.cmpi ne, %convert_element_type3A_159, %cond3A_160 : i32
    scf.if %cond3A_161 {
      %add3A_162 = arith.constant 64 : i32
      %add3A_163 = arith.addi %add3A, %add3A_162 : i32
      %jit3A_164 = arith.constant 40 : i32
      %eq3A_165 = arith.constant 0 : i32
      %eq3A_166 = arith.cmpi eq, %jit3A_164, %eq3A_165 : i32
      %jit3A_167 = arith.constant 1 : i32
      %select_n3A_168 = arith.select %eq3A_166, %jit3A_167, %jit3A_164 : i32
      %rem3A_169 = arith.remsi %add3A_163, %select_n3A_168 : i32
      %ne3A_170 = arith.constant 0 : i32
      %ne3A_171 = arith.cmpi ne, %rem3A_169, %ne3A_170 : i32
      %lt3A_172 = arith.constant 0 : i32
      %lt3A_173 = arith.cmpi slt, %rem3A_169, %lt3A_172 : i32
      %lt3A_174 = arith.constant 0 : i32
      %lt3A_175 = arith.cmpi slt, %select_n3A_168, %lt3A_174 : i32
      %ne3A_176 = arith.xori %lt3A_173, %lt3A_175 : i1
      %and3A_177 = arith.andi %ne3A_176, %ne3A_171 : i1
      %add3A_178 = arith.addi %rem3A_169, %select_n3A_168 : i32
      %select_n3A_179 = arith.select %and3A_177, %add3A_178, %rem3A_169 : i32
      %jit3A_180 = arith.constant 20 : i32
      %div3A_181 = arith.divsi %select_n3A_179, %jit3A_180 : i32
      %sign3A_182 = arith.constant 0 : i32
      %sign3A_183 = arith.cmpi sgt, %select_n3A_179, %sign3A_182 : i32
      %sign3A_184 = arith.extui %sign3A_183 : i1 to i32
      %sign3A_185 = arith.constant 0 : i32
      %sign3A_186 = arith.cmpi slt, %select_n3A_179, %sign3A_185 : i32
      %sign3A_187 = arith.extui %sign3A_186 : i1 to i32
      %sign3A_188 = arith.subi %sign3A_184, %sign3A_187 : i32
      %sign3A_189 = arith.constant 0 : i32
      %sign3A_190 = arith.cmpi sgt, %jit3A_180, %sign3A_189 : i32
      %sign3A_191 = arith.extui %sign3A_190 : i1 to i32
      %sign3A_192 = arith.constant 0 : i32
      %sign3A_193 = arith.cmpi slt, %jit3A_180, %sign3A_192 : i32
      %sign3A_194 = arith.extui %sign3A_193 : i1 to i32
      %sign3A_195 = arith.subi %sign3A_191, %sign3A_194 : i32
      %ne3A_196 = arith.cmpi ne, %sign3A_188, %sign3A_195 : i32
      %rem3A_197 = arith.remsi %select_n3A_179, %jit3A_180 : i32
      %ne3A_198 = arith.constant 0 : i32
      %ne3A_199 = arith.cmpi ne, %rem3A_197, %ne3A_198 : i32
      %and3A_200 = arith.andi %ne3A_196, %ne3A_199 : i1
      %sub3A_201 = arith.constant 1 : i32
      %sub3A_202 = arith.subi %div3A_181, %sub3A_201 : i32
      %select_n3A_203 = arith.select %and3A_200, %sub3A_202, %div3A_181 : i32
      %jit3A_204 = arith.constant 20 : i32
      %eq3A_205 = arith.constant 0 : i32
      %eq3A_206 = arith.cmpi eq, %jit3A_204, %eq3A_205 : i32
      %jit3A_207 = arith.constant 1 : i32
      %select_n3A_208 = arith.select %eq3A_206, %jit3A_207, %jit3A_204 : i32
      %rem3A_209 = arith.remsi %select_n3A_179, %select_n3A_208 : i32
      %ne3A_210 = arith.constant 0 : i32
      %ne3A_211 = arith.cmpi ne, %rem3A_209, %ne3A_210 : i32
      %lt3A_212 = arith.constant 0 : i32
      %lt3A_213 = arith.cmpi slt, %rem3A_209, %lt3A_212 : i32
      %lt3A_214 = arith.constant 0 : i32
      %lt3A_215 = arith.cmpi slt, %select_n3A_208, %lt3A_214 : i32
      %ne3A_216 = arith.xori %lt3A_213, %lt3A_215 : i1
      %and3A_217 = arith.andi %ne3A_216, %ne3A_211 : i1
      %add3A_218 = arith.addi %rem3A_209, %select_n3A_208 : i32
      %select_n3A_219 = arith.select %and3A_217, %add3A_218, %rem3A_209 : i32
      %mul3A_220 = arith.constant 4096 : i32
      %mul3A_221 = arith.muli %select_n3A_203, %mul3A_220 : i32
      "tpu.region"() ({
        %run_scoped3A = tpu.sem_alloc : memref<!tpu.dma_semaphore, #tpu.memory_space<semaphore_mem>>
        %dma_start3A = tpu.memref_slice %arg4[%mul3A_221] : memref<8192xi32, #tpu.memory_space<hbm>> -> memref<4096xi32, #tpu.memory_space<hbm>>
        %dma_start3A_248 = tpu.memref_slice %arg4[%mul3A_221] : memref<8192xi32, #tpu.memory_space<hbm>> -> memref<4096xi32, #tpu.memory_space<hbm>>
        tpu.enqueue_dma source(%dma_start3A_248 : memref<4096xi32, #tpu.memory_space<hbm>>) target(%arg7 : memref<4096xi32, #tpu.memory_space<vmem>>) target_semaphore(%run_scoped3A : memref<!tpu.dma_semaphore, #tpu.memory_space<semaphore_mem>>)
        %dma_wait3A = tpu.memref_slice %arg4[%mul3A_221] : memref<8192xi32, #tpu.memory_space<hbm>> -> memref<4096xi32, #tpu.memory_space<hbm>>
        %dma_wait3A_249 = tpu.memref_slice %arg4[%mul3A_221] : memref<8192xi32, #tpu.memory_space<hbm>> -> memref<4096xi32, #tpu.memory_space<hbm>>
        tpu.wait_dma2 semaphore(%run_scoped3A : memref<!tpu.dma_semaphore, #tpu.memory_space<semaphore_mem>>) src(%dma_wait3A_249 : memref<4096xi32, #tpu.memory_space<hbm>>) dst(%arg7 : memref<4096xi32, #tpu.memory_space<vmem>>)
        tpu.yield
      }) : () -> ()
      %lt3A_222 = arith.constant 40 : i32
      %lt3A_223 = arith.cmpi slt, %add3A_163, %lt3A_222 : i32
      %convert_element_type3A_224 = arith.extui %lt3A_223 : i1 to i32
      %cond3A_225 = arith.constant 0 : i32
      %cond3A_226 = arith.cmpi ne, %convert_element_type3A_224, %cond3A_225 : i32
      scf.if %cond3A_226 {
        %mul3A_248 = arith.constant 65536 : i32
        %mul3A_249 = arith.muli %select_n3A_179, %mul3A_248 : i32
        "tpu.region"() ({
          %run_scoped3A = tpu.sem_alloc : memref<!tpu.dma_semaphore, #tpu.memory_space<semaphore_mem>>
          %dma_start3A = tpu.memref_slice %arg2[%mul3A_249] : memref<2621440xf32, #tpu.memory_space<hbm>> -> memref<65536xf32, #tpu.memory_space<hbm>>
          %dma_start3A_250 = tpu.memref_slice %arg2[%mul3A_249] : memref<2621440xf32, #tpu.memory_space<hbm>> -> memref<65536xf32, #tpu.memory_space<hbm>>
          tpu.enqueue_dma source(%dma_start3A_250 : memref<65536xf32, #tpu.memory_space<hbm>>) target(%arg8 : memref<65536xf32, #tpu.memory_space<vmem>>) target_semaphore(%run_scoped3A : memref<!tpu.dma_semaphore, #tpu.memory_space<semaphore_mem>>)
          %dma_wait3A = tpu.memref_slice %arg2[%mul3A_249] : memref<2621440xf32, #tpu.memory_space<hbm>> -> memref<65536xf32, #tpu.memory_space<hbm>>
          %dma_wait3A_251 = tpu.memref_slice %arg2[%mul3A_249] : memref<2621440xf32, #tpu.memory_space<hbm>> -> memref<65536xf32, #tpu.memory_space<hbm>>
          tpu.wait_dma2 semaphore(%run_scoped3A : memref<!tpu.dma_semaphore, #tpu.memory_space<semaphore_mem>>) src(%dma_wait3A_251 : memref<65536xf32, #tpu.memory_space<hbm>>) dst(%arg8 : memref<65536xf32, #tpu.memory_space<vmem>>)
          tpu.yield
        }) : () -> ()
      } else {
      }
      %ge3A_227 = arith.constant 40 : i32
      %ge3A_228 = arith.cmpi sge, %add3A_163, %ge3A_227 : i32
      %convert_element_type3A_229 = arith.extui %ge3A_228 : i1 to i32
      %cond3A_230 = arith.constant 0 : i32
      %cond3A_231 = arith.cmpi ne, %convert_element_type3A_229, %cond3A_230 : i32
      scf.if %cond3A_231 {
        "tpu.region"() ({
          %run_scoped3A = tpu.sem_alloc : memref<!tpu.dma_semaphore, #tpu.memory_space<semaphore_mem>>
          %dma_start3A = arith.constant 0 : i32
          %dma_start3A_248 = tpu.memref_slice %arg3[%select_n3A_203, %select_n3A_219, %dma_start3A] : memref<2x20x65536xf32, #tpu.memory_space<hbm>> -> memref<1x1x65536xf32, #tpu.memory_space<hbm>>
          %dma_start3A_249 = tpu.memref_squeeze %dma_start3A_248 : memref<1x1x65536xf32, #tpu.memory_space<hbm>> -> memref<65536xf32, #tpu.memory_space<hbm>>
          %dma_start3A_250 = arith.constant 0 : i32
          %dma_start3A_251 = tpu.memref_slice %arg3[%select_n3A_203, %select_n3A_219, %dma_start3A_250] : memref<2x20x65536xf32, #tpu.memory_space<hbm>> -> memref<1x1x65536xf32, #tpu.memory_space<hbm>>
          %dma_start3A_252 = tpu.memref_squeeze %dma_start3A_251 : memref<1x1x65536xf32, #tpu.memory_space<hbm>> -> memref<65536xf32, #tpu.memory_space<hbm>>
          tpu.enqueue_dma source(%dma_start3A_252 : memref<65536xf32, #tpu.memory_space<hbm>>) target(%arg8 : memref<65536xf32, #tpu.memory_space<vmem>>) target_semaphore(%run_scoped3A : memref<!tpu.dma_semaphore, #tpu.memory_space<semaphore_mem>>)
          %dma_wait3A = arith.constant 0 : i32
          %dma_wait3A_253 = tpu.memref_slice %arg3[%select_n3A_203, %select_n3A_219, %dma_wait3A] : memref<2x20x65536xf32, #tpu.memory_space<hbm>> -> memref<1x1x65536xf32, #tpu.memory_space<hbm>>
          %dma_wait3A_254 = tpu.memref_squeeze %dma_wait3A_253 : memref<1x1x65536xf32, #tpu.memory_space<hbm>> -> memref<65536xf32, #tpu.memory_space<hbm>>
          %dma_wait3A_255 = arith.constant 0 : i32
          %dma_wait3A_256 = tpu.memref_slice %arg3[%select_n3A_203, %select_n3A_219, %dma_wait3A_255] : memref<2x20x65536xf32, #tpu.memory_space<hbm>> -> memref<1x1x65536xf32, #tpu.memory_space<hbm>>
          %dma_wait3A_257 = tpu.memref_squeeze %dma_wait3A_256 : memref<1x1x65536xf32, #tpu.memory_space<hbm>> -> memref<65536xf32, #tpu.memory_space<hbm>>
          tpu.wait_dma2 semaphore(%run_scoped3A : memref<!tpu.dma_semaphore, #tpu.memory_space<semaphore_mem>>) src(%dma_wait3A_257 : memref<65536xf32, #tpu.memory_space<hbm>>) dst(%arg8 : memref<65536xf32, #tpu.memory_space<vmem>>)
          tpu.yield
        }) : () -> ()
      } else {
      }
      %scan3A_232 = arith.constant 0 : i32
      %scan3A_233 = arith.constant 0 : i32
      %scan3A_234 = arith.constant 64 : i32
      %scan3A_235 = arith.addi %scan3A_233, %scan3A_234 : i32
      %scan3A_236 = arith.constant 1 : i32
      scf.for %scan3A_248 = %scan3A_233 to %scan3A_235 step %scan3A_236  : i32 {
        %mul3A_249 = arith.constant 4 : i32
        %mul3A_250 = arith.muli %scan3A_248, %mul3A_249 : i32
        %mul3A_251 = arith.constant 16 : i32
        %mul3A_252 = arith.muli %mul3A_250, %mul3A_251 : i32
        %add3A_253 = arith.constant 0 : i32
        %add3A_254 = arith.addi %mul3A_252, %add3A_253 : i32
        %get3A = arith.index_cast %add3A_254 : i32 to index
        %get3A_255 = tpu.vector_load %arg7[%get3A] {strides = array<i32>} : memref<4096xi32, #tpu.memory_space<vmem>>, vector<16xi32>,
        %gather3A = tpu.vector_load_idx %arg8[%get3A_255] : memref<65536xf32, #tpu.memory_space<vmem>>[vector<16xi32>], vector<16xf32>,
        %swap3A = arith.index_cast %add3A_254 : i32 to index
        %swap3A_256 = tpu.vector_load %arg9[%swap3A] {strides = array<i32>} : memref<4096xf32, #tpu.memory_space<vmem>>, vector<16xf32>,
        tpu.vector_store %arg9[%swap3A], %gather3A {strides = array<i32>} : memref<4096xf32, #tpu.memory_space<vmem>>, vector<16xf32>,
        %mul3A_257 = arith.constant 4 : i32
        %mul3A_258 = arith.muli %scan3A_248, %mul3A_257 : i32
        %mul3A_259 = arith.constant 16 : i32
        %mul3A_260 = arith.muli %mul3A_258, %mul3A_259 : i32
        %add3A_261 = arith.constant 16 : i32
        %add3A_262 = arith.addi %mul3A_260, %add3A_261 : i32
        %get3A_263 = arith.index_cast %add3A_262 : i32 to index
        %get3A_264 = tpu.vector_load %arg7[%get3A_263] {strides = array<i32>} : memref<4096xi32, #tpu.memory_space<vmem>>, vector<16xi32>,
        %gather3A_265 = tpu.vector_load_idx %arg8[%get3A_264] : memref<65536xf32, #tpu.memory_space<vmem>>[vector<16xi32>], vector<16xf32>,
        %swap3A_266 = arith.index_cast %add3A_262 : i32 to index
        %swap3A_267 = tpu.vector_load %arg9[%swap3A_266] {strides = array<i32>} : memref<4096xf32, #tpu.memory_space<vmem>>, vector<16xf32>,
        tpu.vector_store %arg9[%swap3A_266], %gather3A_265 {strides = array<i32>} : memref<4096xf32, #tpu.memory_space<vmem>>, vector<16xf32>,
        %mul3A_268 = arith.constant 4 : i32
        %mul3A_269 = arith.muli %scan3A_248, %mul3A_268 : i32
        %mul3A_270 = arith.constant 16 : i32
        %mul3A_271 = arith.muli %mul3A_269, %mul3A_270 : i32
        %add3A_272 = arith.constant 32 : i32
        %add3A_273 = arith.addi %mul3A_271, %add3A_272 : i32
        %get3A_274 = arith.index_cast %add3A_273 : i32 to index
        %get3A_275 = tpu.vector_load %arg7[%get3A_274] {strides = array<i32>} : memref<4096xi32, #tpu.memory_space<vmem>>, vector<16xi32>,
        %gather3A_276 = tpu.vector_load_idx %arg8[%get3A_275] : memref<65536xf32, #tpu.memory_space<vmem>>[vector<16xi32>], vector<16xf32>,
        %swap3A_277 = arith.index_cast %add3A_273 : i32 to index
        %swap3A_278 = tpu.vector_load %arg9[%swap3A_277] {strides = array<i32>} : memref<4096xf32, #tpu.memory_space<vmem>>, vector<16xf32>,
        tpu.vector_store %arg9[%swap3A_277], %gather3A_276 {strides = array<i32>} : memref<4096xf32, #tpu.memory_space<vmem>>, vector<16xf32>,
        %mul3A_279 = arith.constant 4 : i32
        %mul3A_280 = arith.muli %scan3A_248, %mul3A_279 : i32
        %mul3A_281 = arith.constant 16 : i32
        %mul3A_282 = arith.muli %mul3A_280, %mul3A_281 : i32
        %add3A_283 = arith.constant 48 : i32
        %add3A_284 = arith.addi %mul3A_282, %add3A_283 : i32
        %get3A_285 = arith.index_cast %add3A_284 : i32 to index
        %get3A_286 = tpu.vector_load %arg7[%get3A_285] {strides = array<i32>} : memref<4096xi32, #tpu.memory_space<vmem>>, vector<16xi32>,
        %gather3A_287 = tpu.vector_load_idx %arg8[%get3A_286] : memref<65536xf32, #tpu.memory_space<vmem>>[vector<16xi32>], vector<16xf32>,
        %swap3A_288 = arith.index_cast %add3A_284 : i32 to index
        %swap3A_289 = tpu.vector_load %arg9[%swap3A_288] {strides = array<i32>} : memref<4096xf32, #tpu.memory_space<vmem>>, vector<16xf32>,
        tpu.vector_store %arg9[%swap3A_288], %gather3A_287 {strides = array<i32>} : memref<4096xf32, #tpu.memory_space<vmem>>, vector<16xf32>,
      }
      %scan3A_237 = arith.constant 64 : i32
      %lt3A_238 = arith.constant 40 : i32
      %lt3A_239 = arith.cmpi slt, %add3A_163, %lt3A_238 : i32
      %convert_element_type3A_240 = arith.extui %lt3A_239 : i1 to i32
      %cond3A_241 = arith.constant 0 : i32
      %cond3A_242 = arith.cmpi ne, %convert_element_type3A_240, %cond3A_241 : i32
      scf.if %cond3A_242 {
        %mul3A_248 = arith.constant 4096 : i32
        %mul3A_249 = arith.muli %select_n3A_179, %mul3A_248 : i32
        "tpu.region"() ({
          %run_scoped3A = tpu.sem_alloc : memref<!tpu.dma_semaphore, #tpu.memory_space<semaphore_mem>>
          %dma_start3A = tpu.memref_slice %arg5[%mul3A_249] : memref<163840xf32, #tpu.memory_space<hbm>> -> memref<4096xf32, #tpu.memory_space<hbm>>
          %dma_start3A_250 = tpu.memref_slice %arg5[%mul3A_249] : memref<163840xf32, #tpu.memory_space<hbm>> -> memref<4096xf32, #tpu.memory_space<hbm>>
          tpu.enqueue_dma source(%arg9 : memref<4096xf32, #tpu.memory_space<vmem>>) target(%dma_start3A_250 : memref<4096xf32, #tpu.memory_space<hbm>>) target_semaphore(%run_scoped3A : memref<!tpu.dma_semaphore, #tpu.memory_space<semaphore_mem>>)
          %dma_wait3A = tpu.memref_slice %arg5[%mul3A_249] : memref<163840xf32, #tpu.memory_space<hbm>> -> memref<4096xf32, #tpu.memory_space<hbm>>
          %dma_wait3A_251 = tpu.memref_slice %arg5[%mul3A_249] : memref<163840xf32, #tpu.memory_space<hbm>> -> memref<4096xf32, #tpu.memory_space<hbm>>
          tpu.wait_dma2 semaphore(%run_scoped3A : memref<!tpu.dma_semaphore, #tpu.memory_space<semaphore_mem>>) src(%arg9 : memref<4096xf32, #tpu.memory_space<vmem>>) dst(%dma_wait3A_251 : memref<4096xf32, #tpu.memory_space<hbm>>)
          tpu.yield
        }) : () -> ()
      } else {
      }
      %ge3A_243 = arith.constant 40 : i32
      %ge3A_244 = arith.cmpi sge, %add3A_163, %ge3A_243 : i32
      %convert_element_type3A_245 = arith.extui %ge3A_244 : i1 to i32
      %cond3A_246 = arith.constant 0 : i32
      %cond3A_247 = arith.cmpi ne, %convert_element_type3A_245, %cond3A_246 : i32
      scf.if %cond3A_247 {
        %mul3A_248 = arith.constant 4096 : i32
        %mul3A_249 = arith.muli %select_n3A_179, %mul3A_248 : i32
        "tpu.region"() ({
          %run_scoped3A = tpu.sem_alloc : memref<!tpu.dma_semaphore, #tpu.memory_space<semaphore_mem>>
          %dma_start3A = tpu.memref_slice %arg6[%mul3A_249] : memref<163840xf32, #tpu.memory_space<hbm>> -> memref<4096xf32, #tpu.memory_space<hbm>>
          %dma_start3A_250 = tpu.memref_slice %arg6[%mul3A_249] : memref<163840xf32, #tpu.memory_space<hbm>> -> memref<4096xf32, #tpu.memory_space<hbm>>
          tpu.enqueue_dma source(%arg9 : memref<4096xf32, #tpu.memory_space<vmem>>) target(%dma_start3A_250 : memref<4096xf32, #tpu.memory_space<hbm>>) target_semaphore(%run_scoped3A : memref<!tpu.dma_semaphore, #tpu.memory_space<semaphore_mem>>)
          %dma_wait3A = tpu.memref_slice %arg6[%mul3A_249] : memref<163840xf32, #tpu.memory_space<hbm>> -> memref<4096xf32, #tpu.memory_space<hbm>>
          %dma_wait3A_251 = tpu.memref_slice %arg6[%mul3A_249] : memref<163840xf32, #tpu.memory_space<hbm>> -> memref<4096xf32, #tpu.memory_space<hbm>>
          tpu.wait_dma2 semaphore(%run_scoped3A : memref<!tpu.dma_semaphore, #tpu.memory_space<semaphore_mem>>) src(%arg9 : memref<4096xf32, #tpu.memory_space<vmem>>) dst(%dma_wait3A_251 : memref<4096xf32, #tpu.memory_space<hbm>>)
          tpu.yield
        }) : () -> ()
      } else {
      }
    } else {
    }
    return
  }
}

module attributes {stable_mosaic.version = 14 : i64} {
  func.func @_tc_loss_body(%arg0: memref<1280x128xf32, #tpu.memory_space<vmem>>, %arg1: memref<1280x128xf32, #tpu.memory_space<vmem>>, %arg2: memref<200x21xf32, #tpu.memory_space<vmem>>, %arg3: memref<200x1xi32, #tpu.memory_space<vmem>>, %arg4: memref<8x128xf32, #tpu.memory_space<vmem>>) attributes {dimension_semantics = [], scalar_prefetch = 0 : i64, scratch_operands = 0 : i64, tpu.core_type = #tpu.core_type<tc>} {
    %get3A = arith.constant 0 : index
    %get3A_0 = arith.constant 0 : index
    %get3A_1 = vector.load %arg0[%get3A, %get3A_0] : memref<1280x128xf32, #tpu.memory_space<vmem>>, vector<1280x128xf32>
    %get3A_2 = arith.constant 0 : index
    %get3A_3 = arith.constant 0 : index
    %get3A_4 = vector.load %arg1[%get3A_2, %get3A_3] : memref<1280x128xf32, #tpu.memory_space<vmem>>, vector<1280x128xf32>
    %gt3A = arith.constant 5.000000e-01 : f32
    %gt3A_5 = vector.broadcast %gt3A : f32 to vector<1280x128xf32>
    %gt3A_6 = arith.cmpf ogt, %get3A_4, %gt3A_5 : vector<1280x128xf32>
    %convert_element_type3A = arith.extui %gt3A_6 : vector<1280x128xi1> to vector<1280x128xi32>
    %convert_element_type3A_7 = arith.sitofp %convert_element_type3A : vector<1280x128xi32> to vector<1280x128xf32>
    %max3A = arith.constant 0.000000e+00 : f32
    %max3A_8 = vector.broadcast %max3A : f32 to vector<1280x128xf32>
    %max3A_9 = arith.maximumf %get3A_1, %max3A_8 : vector<1280x128xf32>
    %mul3A = arith.mulf %get3A_1, %convert_element_type3A_7 : vector<1280x128xf32>
    %sub3A = arith.subf %max3A_9, %mul3A : vector<1280x128xf32>
    %abs3A = math.absf %get3A_1 : vector<1280x128xf32>
    %neg3A = arith.constant 0.000000e+00 : f32
    %neg3A_10 = vector.broadcast %neg3A : f32 to vector<1280x128xf32>
    %neg3A_11 = arith.subf %neg3A_10, %abs3A : vector<1280x128xf32>
    %exp3A = math.exp %neg3A_11 : vector<1280x128xf32>
    %log1p3A = math.log1p %exp3A : vector<1280x128xf32>
    %add3A = arith.addf %sub3A, %log1p3A : vector<1280x128xf32>
    %reduce_sum3A = vector.shape_cast %add3A : vector<1280x128xf32> to vector<1x1280x128xf32>
    %reduce_sum3A_12 = arith.constant dense<0.000000e+00> : vector<1xf32>
    %reduce_sum3A_13 = vector.multi_reduction <add>, %reduce_sum3A, %reduce_sum3A_12 [1, 2] : vector<1x1280x128xf32> to vector<1xf32>
    %reduce_sum3A_14 = vector.shape_cast %reduce_sum3A_13 : vector<1xf32> to vector<1x1x1xf32>
    %reduce_sum3A_15 = vector.extract %reduce_sum3A_14[0, 0, 0] : f32 from vector<1x1x1xf32>
    %div3A = arith.constant 1.638400e+05 : f32
    %div3A_16 = arith.divf %reduce_sum3A_15, %div3A : f32
    %neg3A_17 = arith.constant 0.000000e+00 : f32
    %neg3A_18 = vector.broadcast %neg3A_17 : f32 to vector<1280x128xf32>
    %neg3A_19 = arith.subf %neg3A_18, %get3A_1 : vector<1280x128xf32>
    %exp3A_20 = math.exp %neg3A_19 : vector<1280x128xf32>
    %add3A_21 = arith.constant 1.000000e+00 : f32
    %add3A_22 = vector.broadcast %add3A_21 : f32 to vector<1280x128xf32>
    %add3A_23 = arith.addf %add3A_22, %exp3A_20 : vector<1280x128xf32>
    %div3A_24 = arith.constant 1.000000e+00 : f32
    %div3A_25 = vector.broadcast %div3A_24 : f32 to vector<1280x128xf32>
    %div3A_26 = arith.divf %div3A_25, %add3A_23 : vector<1280x128xf32>
    %mul3A_27 = arith.mulf %div3A_26, %convert_element_type3A_7 : vector<1280x128xf32>
    %reshape3A = vector.shape_cast %mul3A_27 : vector<1280x128xf32> to vector<40x32x128xf32>
    %reduce_sum3A_28 = arith.constant dense<0.000000e+00> : vector<40xf32>
    %reduce_sum3A_29 = vector.multi_reduction <add>, %reshape3A, %reduce_sum3A_28 [1, 2] : vector<40x32x128xf32> to vector<40xf32>
    %mul3A_30 = arith.constant 2.000000e+00 : f32
    %mul3A_31 = vector.broadcast %mul3A_30 : f32 to vector<40xf32>
    %mul3A_32 = arith.mulf %mul3A_31, %reduce_sum3A_29 : vector<40xf32>
    %reshape3A_33 = vector.shape_cast %div3A_26 : vector<1280x128xf32> to vector<40x32x128xf32>
    %reduce_sum3A_34 = arith.constant dense<0.000000e+00> : vector<40xf32>
    %reduce_sum3A_35 = vector.multi_reduction <add>, %reshape3A_33, %reduce_sum3A_34 [1, 2] : vector<40x32x128xf32> to vector<40xf32>
    %reshape3A_36 = vector.shape_cast %convert_element_type3A_7 : vector<1280x128xf32> to vector<40x32x128xf32>
    %reduce_sum3A_37 = arith.constant dense<0.000000e+00> : vector<40xf32>
    %reduce_sum3A_38 = vector.multi_reduction <add>, %reshape3A_36, %reduce_sum3A_37 [1, 2] : vector<40x32x128xf32> to vector<40xf32>
    %add3A_39 = arith.addf %reduce_sum3A_35, %reduce_sum3A_38 : vector<40xf32>
    %add3A_40 = arith.constant 1.000000e+00 : f32
    %add3A_41 = vector.broadcast %add3A_40 : f32 to vector<40xf32>
    %add3A_42 = arith.addf %mul3A_32, %add3A_41 : vector<40xf32>
    %add3A_43 = arith.constant 1.000000e+00 : f32
    %add3A_44 = vector.broadcast %add3A_43 : f32 to vector<40xf32>
    %add3A_45 = arith.addf %add3A_39, %add3A_44 : vector<40xf32>
    %div3A_46 = arith.divf %add3A_42, %add3A_45 : vector<40xf32>
    %sub3A_47 = arith.constant 1.000000e+00 : f32
    %sub3A_48 = vector.broadcast %sub3A_47 : f32 to vector<40xf32>
    %sub3A_49 = arith.subf %sub3A_48, %div3A_46 : vector<40xf32>
    %reduce_sum3A_50 = vector.shape_cast %sub3A_49 : vector<40xf32> to vector<1x40xf32>
    %reduce_sum3A_51 = arith.constant dense<0.000000e+00> : vector<1xf32>
    %reduce_sum3A_52 = vector.multi_reduction <add>, %reduce_sum3A_50, %reduce_sum3A_51 [1] : vector<1x40xf32> to vector<1xf32>
    %reduce_sum3A_53 = vector.shape_cast %reduce_sum3A_52 : vector<1xf32> to vector<1x1xf32>
    %reduce_sum3A_54 = vector.extract %reduce_sum3A_53[0, 0] : f32 from vector<1x1xf32>
    %div3A_55 = arith.constant 4.000000e+01 : f32
    %div3A_56 = arith.divf %reduce_sum3A_54, %div3A_55 : f32
    %get3A_57 = arith.constant 0 : index
    %get3A_58 = arith.constant 0 : index
    %get3A_59 = vector.load %arg2[%get3A_57, %get3A_58] : memref<200x21xf32, #tpu.memory_space<vmem>>, vector<200x21xf32>
    %jit3A = arith.constant -1.000000e+02 : f32
    %jit3A_60 = arith.constant 1.000000e+02 : f32
    %max3A_61 = vector.broadcast %jit3A : f32 to vector<200x21xf32>
    %max3A_62 = arith.maximumf %max3A_61, %get3A_59 : vector<200x21xf32>
    %min3A = vector.broadcast %jit3A_60 : f32 to vector<200x21xf32>
    %min3A_63 = arith.minimumf %min3A, %max3A_62 : vector<200x21xf32>
    %reduce_max3A = arith.constant dense<0xFF800000> : vector<200xf32>
    %reduce_max3A_64 = vector.multi_reduction <maximumf>, %min3A_63, %reduce_max3A [1] : vector<200x21xf32> to vector<200xf32>
    %broadcast_in_dim3A = vector.shape_cast %reduce_max3A_64 : vector<200xf32> to vector<200x1xf32>
    %sub3A_65 = vector.broadcast %broadcast_in_dim3A : vector<200x1xf32> to vector<200x21xf32>
    %sub3A_66 = arith.subf %min3A_63, %sub3A_65 : vector<200x21xf32>
    %exp3A_67 = math.exp %sub3A_66 : vector<200x21xf32>
    %reduce_sum3A_68 = arith.constant dense<0.000000e+00> : vector<200xf32>
    %reduce_sum3A_69 = vector.multi_reduction <add>, %exp3A_67, %reduce_sum3A_68 [1] : vector<200x21xf32> to vector<200xf32>
    %broadcast_in_dim3A_70 = vector.shape_cast %reduce_sum3A_69 : vector<200xf32> to vector<200x1xf32>
    %log3A = math.log %broadcast_in_dim3A_70 : vector<200x1xf32>
    %add3A_71 = arith.addf %broadcast_in_dim3A, %log3A : vector<200x1xf32>
    %sub3A_72 = vector.broadcast %add3A_71 : vector<200x1xf32> to vector<200x21xf32>
    %sub3A_73 = arith.subf %min3A_63, %sub3A_72 : vector<200x21xf32>
    %get3A_74 = arith.constant 0 : index
    %get3A_75 = arith.constant 0 : index
    %get3A_76 = vector.load %arg3[%get3A_74, %get3A_75] : memref<200x1xi32, #tpu.memory_space<vmem>>, vector<200x1xi32>
    %iota3A = tpu.iota {dimensions = array<i32: 1>} : vector<200x21xi32>
    %eq3A = vector.broadcast %get3A_76 : vector<200x1xi32> to vector<200x21xi32>
    %eq3A_77 = arith.cmpi eq, %iota3A, %eq3A : vector<200x21xi32>
    %jit3A_78 = arith.constant 0.000000e+00 : f32
    %broadcast_in_dim3A_79 = vector.broadcast %jit3A_78 : f32 to vector<200x21xf32>
    %select_n3A = arith.select %eq3A_77, %sub3A_73, %broadcast_in_dim3A_79 : vector<200x21xi1>, vector<200x21xf32>
    %reduce_sum3A_80 = arith.constant dense<0.000000e+00> : vector<200xf32>
    %reduce_sum3A_81 = vector.multi_reduction <add>, %select_n3A, %reduce_sum3A_80 [1] : vector<200x21xf32> to vector<200xf32>
    %broadcast_in_dim3A_82 = vector.shape_cast %reduce_sum3A_81 : vector<200xf32> to vector<200x1xf32>
    %neg3A_83 = arith.constant 0.000000e+00 : f32
    %neg3A_84 = vector.broadcast %neg3A_83 : f32 to vector<200x1xf32>
    %neg3A_85 = arith.subf %neg3A_84, %broadcast_in_dim3A_82 : vector<200x1xf32>
    %eq3A_86 = arith.constant 0 : i32
    %eq3A_87 = vector.broadcast %eq3A_86 : i32 to vector<200x1xi32>
    %eq3A_88 = arith.cmpi eq, %get3A_76, %eq3A_87 : vector<200x1xi32>
    %eq3A_89 = arith.constant 20 : i32
    %eq3A_90 = vector.broadcast %eq3A_89 : i32 to vector<200x1xi32>
    %eq3A_91 = arith.cmpi eq, %get3A_76, %eq3A_90 : vector<200x1xi32>
    %jit3A_92 = arith.constant 1.000000e-01 : f32
    %jit3A_93 = arith.constant 1.000000e+00 : f32
    %broadcast_in_dim3A_94 = vector.broadcast %jit3A_92 : f32 to vector<200x1xf32>
    %broadcast_in_dim3A_95 = vector.broadcast %jit3A_93 : f32 to vector<200x1xf32>
    %select_n3A_96 = arith.select %eq3A_91, %broadcast_in_dim3A_94, %broadcast_in_dim3A_95 : vector<200x1xi1>, vector<200x1xf32>
    %jit3A_97 = arith.constant 0.000000e+00 : f32
    %broadcast_in_dim3A_98 = vector.broadcast %jit3A_97 : f32 to vector<200x1xf32>
    %select_n3A_99 = arith.select %eq3A_88, %broadcast_in_dim3A_98, %select_n3A_96 : vector<200x1xi1>, vector<200x1xf32>
    %ne3A = arith.constant 255 : i32
    %ne3A_100 = vector.broadcast %ne3A : i32 to vector<200x1xi32>
    %ne3A_101 = arith.cmpi ne, %get3A_76, %ne3A_100 : vector<200x1xi32>
    %convert_element_type3A_102 = arith.extui %ne3A_101 : vector<200x1xi1> to vector<200x1xi32>
    %convert_element_type3A_103 = arith.sitofp %convert_element_type3A_102 : vector<200x1xi32> to vector<200x1xf32>
    %mul3A_104 = arith.mulf %select_n3A_99, %convert_element_type3A_103 : vector<200x1xf32>
    %mul3A_105 = arith.mulf %mul3A_104, %neg3A_85 : vector<200x1xf32>
    %reduce_sum3A_106 = vector.shape_cast %mul3A_105 : vector<200x1xf32> to vector<1x200x1xf32>
    %reduce_sum3A_107 = arith.constant dense<0.000000e+00> : vector<1xf32>
    %reduce_sum3A_108 = vector.multi_reduction <add>, %reduce_sum3A_106, %reduce_sum3A_107 [1, 2] : vector<1x200x1xf32> to vector<1xf32>
    %reduce_sum3A_109 = vector.shape_cast %reduce_sum3A_108 : vector<1xf32> to vector<1x1x1xf32>
    %reduce_sum3A_110 = vector.extract %reduce_sum3A_109[0, 0, 0] : f32 from vector<1x1x1xf32>
    %reduce_sum3A_111 = vector.shape_cast %mul3A_104 : vector<200x1xf32> to vector<1x200x1xf32>
    %reduce_sum3A_112 = arith.constant dense<0.000000e+00> : vector<1xf32>
    %reduce_sum3A_113 = vector.multi_reduction <add>, %reduce_sum3A_111, %reduce_sum3A_112 [1, 2] : vector<1x200x1xf32> to vector<1xf32>
    %reduce_sum3A_114 = vector.shape_cast %reduce_sum3A_113 : vector<1xf32> to vector<1x1x1xf32>
    %reduce_sum3A_115 = vector.extract %reduce_sum3A_114[0, 0, 0] : f32 from vector<1x1x1xf32>
    %max3A_116 = arith.constant 9.99999993E-9 : f32
    %max3A_117 = arith.maximumf %reduce_sum3A_115, %max3A_116 : f32
    %div3A_118 = arith.divf %reduce_sum3A_110, %max3A_117 : f32
    %iota3A_119 = tpu.iota {dimensions = array<i32: 1>} : vector<8x128xi32>
    %eq3A_120 = arith.constant 0 : i32
    %eq3A_121 = vector.broadcast %eq3A_120 : i32 to vector<8x128xi32>
    %eq3A_122 = arith.cmpi eq, %iota3A_119, %eq3A_121 : vector<8x128xi32>
    %mul3A_123 = arith.constant 2.000000e+00 : f32
    %mul3A_124 = arith.mulf %div3A_118, %mul3A_123 : f32
    %eq3A_125 = arith.constant 1 : i32
    %eq3A_126 = vector.broadcast %eq3A_125 : i32 to vector<8x128xi32>
    %eq3A_127 = arith.cmpi eq, %iota3A_119, %eq3A_126 : vector<8x128xi32>
    %mul3A_128 = arith.constant 5.000000e+00 : f32
    %mul3A_129 = arith.mulf %div3A_56, %mul3A_128 : f32
    %eq3A_130 = arith.constant 2 : i32
    %eq3A_131 = vector.broadcast %eq3A_130 : i32 to vector<8x128xi32>
    %eq3A_132 = arith.cmpi eq, %iota3A_119, %eq3A_131 : vector<8x128xi32>
    %mul3A_133 = arith.constant 5.000000e+00 : f32
    %mul3A_134 = arith.mulf %div3A_16, %mul3A_133 : f32
    %jit3A_135 = arith.constant 0.000000e+00 : f32
    %broadcast_in_dim3A_136 = vector.broadcast %mul3A_134 : f32 to vector<8x128xf32>
    %broadcast_in_dim3A_137 = vector.broadcast %jit3A_135 : f32 to vector<8x128xf32>
    %select_n3A_138 = arith.select %eq3A_132, %broadcast_in_dim3A_136, %broadcast_in_dim3A_137 : vector<8x128xi1>, vector<8x128xf32>
    %broadcast_in_dim3A_139 = vector.broadcast %mul3A_129 : f32 to vector<8x128xf32>
    %select_n3A_140 = arith.select %eq3A_127, %broadcast_in_dim3A_139, %select_n3A_138 : vector<8x128xi1>, vector<8x128xf32>
    %broadcast_in_dim3A_141 = vector.broadcast %mul3A_124 : f32 to vector<8x128xf32>
    %select_n3A_142 = arith.select %eq3A_122, %broadcast_in_dim3A_141, %select_n3A_140 : vector<8x128xi1>, vector<8x128xf32>
    %swap3A = arith.constant 0 : index
    %swap3A_143 = arith.constant 0 : index
    %swap3A_144 = vector.load %arg4[%swap3A, %swap3A_143] : memref<8x128xf32, #tpu.memory_space<vmem>>, vector<8x128xf32>
    tpu.vector_store %arg4[%swap3A, %swap3A_143], %select_n3A_142 {strides = array<i32>} : memref<8x128xf32, #tpu.memory_space<vmem>>, vector<8x128xf32>,
    return
  }
}

</mosaic_0001>

<sc_bundles>
// kernel: kernel.4.cloned.1.call-start
scs
__scs_entry_jumppad:
0x0: {  	(pc) =	sbr.rel $0x88, $3  }
0x1: {  	(tag) =	ssettag $0x0;
	lr =	simm.s32 $0x1  }
0x2: {  	[smem:$0x3F9C] =	sst lr;
	_ =	strace $0xD0000000  }
0x3: {  	_ = 	snop  }
0x4: {  	_ = 	snop  }
0x5: {  	_ = 	snop  }
0x6: {  	_ = 	snop  }
0x7: {  	_ = 	snop  }
__scs_overlays_trampoline_lowered:
0x8: {  	[smem:$0x3FAB] =	sst s0  }
0x9: {  	[smem:$0x3FAC] =	sst s1  }
0xa: {  	[smem:$0x3FAD] =	sst s2  }
0xb: {  	[smem:$0x3FAE] =	sst s3  }
0xc: {  	[smem:$0x3FAF] =	sst s4  }
0xd: {  	[smem:$0x3FB0] =	sst s5  }
0xe: {  	[smem:$0x3FB1] =	sst s6  }
0xf: {  	[smem:$0x3FB2] =	sst s7  }
0x10: {  	[smem:$0x3FB3] =	sst s8  }
0x11: {  	[smem:$0x3FB4] =	sst s9;
	s0 =	simm.s32 @!p0 $0x0  }
0x12: {  	s1 =	sld [smem:$0x3F9A];
	s0 =	simm.s32 @p0 $0x1  }
0x13: {  	[smem:$0x3FB5] =	sst s0;
	s0 =	simm.s32 @!p1 $0x0  }
0x14: {  	s2 =	sld [smem:$0x3F99];
	s0 =	simm.s32 @p1 $0x1  }
0x15: {  	[smem:$0x3FB6] =	sst s0;
	s0 =	simm.s32 @!p2 $0x0  }
0x16: {  	s3 =	sld [smem:$0x3FDB];
	s0 =	simm.s32 @p2 $0x1  }
0x17: {  	s4 =	simm.s32 $0x1BF5;
	[smem:$0x3FB8] =	sst s0  }
0x18: {  	s0 =	sld [smem:$0x3F9B];
	_ =	swait.ge [sflag:s4], $0x0  }
0x19: {  	s7 =	sld [smem:$0x3F9C]  }
0x1a: {  	s8 =	sadd.s32 $0xFFFFE003, lr  }
0x1b: {  	s9 =	sadd.s32 $0xFFFFFEF7, lr;
	s5 =	simm.s32 $0xFFFFFFFF;
	p2 =	slt.u32 s8, $0xFFFFF086  }
0x1c: {  	p1 =	slt.u32 s9, $0xF7A;
	s5 =	simm.s32 @!p2 $0x0  }
0x1d: {  	s5 =	simm.s32 @p1 $0x1;
	p0 =	seq.s32 s7, s2  }
0x1e: {  	s7 =	smul.u32 @!p0 $0xF7A, s2;
	p2 =	seq.s32 @!p0 s5, $0x0  }
0x1f: {  	s9 =	smul.u32 $0xF7A, s1;
	s8 =	simm.s32 @!p0 $0x1BF5;
	p2 =	por !p2, p0  }
0x20: {  	[sflag:s8] =	ssyncset.s32 @!p0 $0xFFFFF086;
	s6 =	sadd.s32 @!p0 s3, s7;
	s7 =	simm.s32 @!p0 $0x108  }
0x21: {  	s3 =	sadd.s32 s3, s9;
	s6 =	sadd.s32 @!p0 $0x88, s6;
	s7 =	simm.s32 @p2 $0x1082  }
0x22: {  	[simem:s7], [sflag:s8] =	dma.local @!p0 [hbm:s6], $0xF7A  }
0x23: {  	s9 =	sor.u32 $0xD0000000, s2;
	s6 =	simm.s32 $0x108;
	_ =	swait.ge @!p0 [sflag:s8], $0x0  }
0x24: {  	s3 =	sadd.s32 $0x88, s3;
	s6 =	simm.s32 @!p1 $0x1082;
	[sflag:s4] =	ssyncset.s32 $0xFFFFF086  }
0x25: {  	[simem:s6], [sflag:s4] =	dma.local [hbm:s3], $0xF7A  }
0x26: {  	[smem:$0x3F9C] =	sst s1;
	(tag) =	ssettag s2;
	_ =	strace s9  }
0x27: {  	s1 =	sld [smem:$0x3FAC]  }
0x28: {  	s2 =	sld [smem:$0x3FAD]  }
0x29: {  	s4 =	sld [smem:$0x3FAF]  }
0x2a: {  	p0 =	seq.s32 s5, $0x0;
	s5 =	sld [smem:$0x3FB0]  }
0x2b: {  	s6 =	sld [smem:$0x3FB1]  }
0x2c: {  	s7 =	sld [smem:$0x3FB2]  }
0x2d: {  	s3 =	simm.s32 $0x108;
	s8 =	sld [smem:$0x3FB3]  }
0x2e: {  	s3 =	simm.s32 @!p0 $0x1082;
	s9 =	sld [smem:$0x3FB4]  }
0x2f: {  	lr =	sadd.s32 s0, s3;
	s0 =	sld [smem:$0x3FAB]  }
0x30: {  	s3 =	sld [smem:$0x3FAE]  }
0x31: {  	[smem:$0x3FB7] =	sst s10  }
0x32: {  	s10 =	sld [smem:$0x3FB5];
	_ =	sdelay $0x3  }
0x33: {  	p0 =	seq.s32 s10, $0x1;
	s10 =	sld [smem:$0x3FB7];
	_ =	sdelay $0x3  }
0x34: {  	[smem:$0x3FB7] =	sst s10  }
0x35: {  	s10 =	sld [smem:$0x3FB6];
	_ =	sdelay $0x3  }
0x36: {  	p1 =	seq.s32 s10, $0x1;
	s10 =	sld [smem:$0x3FB7];
	_ =	sdelay $0x3  }
0x37: {  	[smem:$0x3FB7] =	sst s10  }
0x38: {  	s10 =	sld [smem:$0x3FB8]  }
0x39: {  	_ = 	snop;
	(pc) =	sbr.ind lr, $3  }
0x3a: {  	_ = 	snop  }
0x3b: {  	_ = 	snop  }
0x3c: {  	p2 =	seq.s32 s10, $0x1;
	s10 =	sld [smem:$0x3FB7]  }
0x3d: {  	_ =	shalt  }
0x3e: {  	_ =	shalt  }
0x3f: {  	_ =	shalt  }
0x40: {  	_ =	shalt  }
0x41: {  	_ =	shalt  }
0x42: {  	_ =	shalt  }
0x43: {  	_ =	shalt  }
0x44: {  	_ =	shalt  }
0x45: {  	_ =	shalt  }
0x46: {  	_ =	shalt  }
0x47: {  	_ =	shalt  }
0x48: {  	_ =	shalt  }
0x49: {  	_ =	shalt  }
0x4a: {  	_ =	shalt  }
0x4b: {  	_ =	shalt  }
0x4c: {  	_ =	shalt  }
0x4d: {  	_ =	shalt  }
0x4e: {  	_ =	shalt  }
0x4f: {  	_ =	shalt  }
0x50: {  	_ =	shalt  }
0x51: {  	_ =	shalt  }
0x52: {  	_ =	shalt  }
0x53: {  	_ =	shalt  }
0x54: {  	_ =	shalt  }
0x55: {  	_ =	shalt  }
0x56: {  	_ =	shalt  }
0x57: {  	_ =	shalt  }
0x58: {  	_ =	shalt  }
0x59: {  	_ =	shalt  }
0x5a: {  	_ =	shalt  }
0x5b: {  	_ =	shalt  }
0x5c: {  	_ =	shalt  }
0x5d: {  	_ =	shalt  }
0x5e: {  	_ =	shalt  }
0x5f: {  	_ =	shalt  }
0x60: {  	_ =	shalt  }
0x61: {  	_ =	shalt  }
0x62: {  	_ =	shalt  }
0x63: {  	_ =	shalt  }
0x64: {  	_ =	shalt  }
0x65: {  	_ =	shalt  }
0x66: {  	_ =	shalt  }
0x67: {  	_ =	shalt  }
0x68: {  	_ =	shalt  }
0x69: {  	_ =	shalt  }
0x6a: {  	_ =	shalt  }
0x6b: {  	_ =	shalt  }
0x6c: {  	_ =	shalt  }
0x6d: {  	_ =	shalt  }
0x6e: {  	_ =	shalt  }
0x6f: {  	_ =	shalt  }
0x70: {  	_ =	shalt  }
0x71: {  	_ =	shalt  }
0x72: {  	_ =	shalt  }
0x73: {  	_ =	shalt  }
0x74: {  	_ =	shalt  }
0x75: {  	_ =	shalt  }
0x76: {  	_ =	shalt  }
0x77: {  	_ =	shalt  }
0x78: {  	_ =	shalt  }
0x79: {  	_ =	shalt  }
0x7a: {  	_ =	shalt  }
0x7b: {  	_ =	shalt  }
0x7c: {  	_ =	shalt  }
0x7d: {  	_ =	shalt  }
0x7e: {  	_ =	shalt  }
0x7f: {  	_ =	shalt  }
0x80: {  	_ =	shalt  }
0x81: {  	_ =	shalt  }
0x82: {  	_ =	shalt  }
0x83: {  	_ =	shalt  }
0x84: {  	_ =	shalt  }
0x85: {  	_ =	shalt  }
0x86: {  	_ =	shalt  }
0x87: {  	_ =	shalt  }
.Lfunc_end0:
.L_simem_size_0:
called_computation_lowered:
.L_overlay_start_0:
0x88: {  	s2 =	sld [smem:$0x3FD9]  }
0x89: {  	s3 =	sld [smem:$0x3FFE];
	_ =	sdelay $0x1  }
0x8a: {  	s1 =	srdreg.scid  }
0x8b: {  	s0 =	sand.u32 $0x1, s1  }
0x8c: {  	s16 =	sshll.u32 s0, $0xA;
	s2 =	sadd.s32 s3, s2  }
0x8d: {  	s2 =	sadd.s32 s2, s16  }
0x8e: {  	[smem:$0x3FC3] =	sst s2  }
0x8f: {  	_ = 	snop  }
0x90: {  	(tm) =	ssettm $0x1  }
0x91: {  	s17 =	sld [smem:$0x3FFB];
	_ =	sdelay $0x3  }
0x92: {  	_ =	strace s17  }
0x93: {  	s2 =	sld [smem:$0x3FFC];
	_ =	sdelay $0x3  }
0x94: {  	_ =	strace s2  }
0x95: {  	s2 =	sld [smem:$0x3FFD];
	_ =	sdelay $0x3  }
0x96: {  	_ =	strace s2  }
0x97: {  	_ =	strace $0x8FFFFFFF  }
0x98: {  	s18 =	sld [smem:$0x3FDB];
	_ =	sdelay $0x1  }
0x99: {  	s19 =	simm.s32 $_scs_section_size  }
0x9a: {  	s4 =	simm.s32 $_size__tile_overlayer_lowered;
	s5 =	simm.s32 $_tile_overlayer_lowered  }
0x9b: {  	s22 =	simm.s32 $0x1BFF;
	s21 =	sshll.u32 s5, $0x1;
	s2 =	sadd.s32 s19, s18  }
0x9c: {  	s6 =	simm.s32 $0x0;
	s20 =	sshll.u32 s4, $0x1;
	s4 =	sadd.s32 s21, s2  }
0x9d: {  	[timem:s6], [sflag:s22] =	dma.local [hbm:s4], s20  }
0x9e: {  	_ =	swait.ge [sflag:s22], s20  }
0x9f: {  	s3 =	ssub.s32 $0x0, s20;
	[sflag:s22] =	ssyncset.done $0x0  }
0xa0: {  	[sflag:s22] =	ssyncadd.s32 s3;
	_ =	sdelay $0x1  }
0xa1: {  	s23 =	simm.s32 $0x1B8B  }
0xa2: {  	_ =	swait.ge [sflag:s23], $0x1  }
0xa3: {  	[sflag:s23] =	ssyncset.done $0x0  }
0xa4: {  	s25 =	simm.s32 $0x1B8E;
	s24 =	sld [smem:$0x3FFE];
	[sflag:s23] =	ssyncadd.s32 $0xFFFFFFFF  }
0xa5: {  	s26 =	simm.s32 $execute0_lowered;
	[smem:$0x3FD2] =	sst s25  }
0xa6: {  	s4 =	sshll.u32 s26, $0x1;
	_ =	strace $0x80000046;
	[dreg:$0x1] =	wrdreg $0xFFFFFFFF  }
0xa7: {  	s28 =	simm.s32 $_size_execute0_lowered;
	s2 =	sadd.s32 s2, s4;
	[dreg:$0x0] =	wrdreg $0x0  }
0xa8: {  	s4 =	sshll.u32 s28, $0x1;
	[dreg:$0x2] =	wrdreg s2  }
0xa9: {  	[dreg:$0x3] =	wrdreg s4  }
0xaa: {  	[dreg:$0x4] =	wrdreg $0xC0  }
0xab: {  	_ =	task [dreg:s6], $0x5FFFF  }
0xac: {  	[dreg:$0x1] =	wrdreg $0xFFFFFFFF  }
0xad: {  	[dreg:$0x0] =	wrdreg $0x60  }
0xae: {  	[dreg:$0x2] =	wrdreg s24  }
0xaf: {  	[dreg:$0x3] =	wrdreg $0x9  }
0xb0: {  	_ =	task.clear_ibuf [dreg:s6], $0x4FFFF;
	_ =	strace $0x90000046  }
0xb1: {  	s29 =	simm.s32 $0x9;
	_ =	strace $0x80000048  }
0xb2: {  	_ =	swait.ge [sflag:s29], $0x1  }
0xb3: {  	[sflag:s29] =	ssyncadd.s32 $0xFFFFFFFF  }
0xb4: {  	_ =	strace $0x90000048  }
0xb5: {  	_ =	sfence  }
0xb6: {  	s30 =	sld [smem:$0x0];
	_ =	sdelay $0x2  }
0xb7: {  	s31 =	sshll.u32 s1, $0xD;
	s1 =	sshrl.u32 s1, $0x2  }
0xb8: {  	s3 =	sand.u32 $0x4000, s31;
	s1 =	sadd.s32 s1, s30  }
0xb9: {  	s0 =	sor.u32 s3, s0;
	s1 =	sshll.u32 s1, $0x11  }
0xba: {  	s0 =	sor.u32 s1, s0  }
0xbb: {  	s0 =	sadd.s32 $0x8F2B, s0  }
0xbc: {  	[sflag:s0] =	ssyncadd.remote.s32 $0x1  }
0xbd: {  	_ =	sfence.sel $0xFFFF  }
0xbe: {  	[dreg:$0x0] =	wrdreg $0xFFFFFFFF;
	(pc) =	sbr.abs _section_cstart, $3  }
0xbf: {  	[dreg:$0x1] =	wrdreg $0xFFFFFFFF  }
0xc0: {  	_ =	task.clear_ibuf [dreg:s6], $0x2FFFF;
	_ =	strace $0x9FFFFFFF  }
0xc1: {  	(tm) =	ssettm $0x7FFFFFFF  }
tec
execute0_lowered:
.L_overlay_start_1:
0x0: {  	(tag) =	ssettag $0x1  }
0x1: {  	s3 =	rddreg [dreg:$0x0]  }
0x2: {  	s0 =	rddreg [dreg:$0x1]  }
0x3: {  	s4 =	srdreg.scid;
	s1 =	stileid.u32  }
0x4: {  	s2 =	simm.s32 $0x0;
	s16 =	simm.s32 $0x200;
	s4 =	sand.u32 $0x1, s4  }
0x5: {  	s5 =	sshll.u32 s1, $0x1;
	[smem:$0x7FF] =	sst s2;
	s6 =	smulhi.u32 $0xCCCCCCCD, s1  }
0x6: {  	s8 =	sadd.s32 $0x1A00, s3;
	s12 =	sadd.s32 $0x51A00, s3;
	s11 =	sadd.s32 $0xB1A00, s3  }
0x7: {  	s10 =	sadd.s32 $0xB1E00, s3;
	s13 =	sadd.s32 $0xB6E00, s3;
	p1 =	sgt.u32 s1, $0x7  }
0x8: {  	s5 =	sor.u32 s4, s5;
	_ =	strace $0x80000047;
	s17 =	ssub.s32 $0x2, s4  }
0x9: {  	s7 =	sor.u32 $0x20, s5;
	s18 =	sshll.u32 s6, $0x6;
	s20 =	sshrl.u32 s17, $0x1  }
0xa: {  	s21 =	sshll.u32 s5, $0xD;
	s23 =	sor.u32 $0x40, s5;
	s9 =	smulhi.u32 $0xCCCCCCCD, s7  }
0xb: {  	s22 =	sshll.u32 s5, $0x9;
	s4 =	sand.u32 $0xFFFFFE00, s18;
	s24 =	smulhi.u32 $0xCCCCCCCD, s23  }
0xc: {  	s14 =	ssub.s32 s17, s20;
	s5 =	sadd.s32 s10, s22;
	s19 =	sshrl.u32 s9, $0x5  }
0xd: {  	s3 =	sadd.s32 s11, s4;
	s9 =	sshrl.u32 s24, $0x5;
	s6 =	smul.u32 $0x28, s19  }
0xe: {  	s4 =	sadd.s32 s8, s21;
	s14 =	smax.u32 s14, $0x1;
	s9 =	smul.u32 $0x28, s9  }
0xf: {  	s19 =	simm.s32 $0x180000;
	s15 =	ssub.s32 s7, s6;
	s6 =	simm.s32 $0x200  }
0x10: {  	s25 =	ssub.s32 s23, s9;
	p0 =	sgt.u32 s15, $0x13;
	s17 =	sadd.s32 $0xFFFFFFEC, s15  }
0x11: {  	s18 =	sshll.u32 s15, $0xD;
	s9 =	sadd.s32 $0xFFFFFFEC, s25;
	s31 =	sshll.u32 s25, $0x9  }
0x12: {  	s6 =	simm.s32 @!p0 $0x0;
	s17 =	smin.u32 s15, s17;
	s19 =	simm.s32 @!p0 $0x0  }
0x13: {  	s7 =	sadd.s32 s8, s18;
	s9 =	smin.u32 s25, s9;
	p0 =	sgt.u32 s25, $0x13  }
0x14: {  	s15 =	sshll.u32 s15, $0x9;
	s6 =	sadd.s32 s11, s6;
	s20 =	sshll.u32 s17, $0x10  }
0x15: {  	s17 =	sshll.u32 s17, $0x7;
	s28 =	sshll.u32 s9, $0x10;
	s9 =	sshll.u32 s9, $0x7  }
0x16: {  	s16 =	simm.s32 @!p0 $0x0;
	s20 =	sand.u32 $0x180000, s20;
	s17 =	sand.u32 $0x380, s17  }
0x17: {  	s18 =	sand.u32 $0x180000, s28;
	s29 =	sand.u32 $0x380, s9;
	s9 =	sadd.s32 s10, s15  }
0x18: {  	s10 =	sadd.s32 s13, s15;
	s11 =	sadd.s32 s11, s16;
	s19 =	sadd.s32 s19, s20  }
0x19: {  	s13 =	sadd.s32 s13, s31;
	s26 =	sor.u32 s17, s19;
	s17 =	simm.s32 $0x180000  }
.Ltmp0:
0x1a: {  	s16 =	simm.s32 $0x1000;
	s17 =	simm.s32 @!p0 $0x0;
	(pc) =	sbr.rel .LBB2_1-.Ltmp0, $4  }
0x1b: {  	s20 =	simm.s32 $0x0;
	s19 =	simm.s32 $0x400;
	s17 =	sadd.s32 s17, s18  }
0x1c: {  	s8 =	sshrl.u32 s26, $0x3;
	p0 =	sgt.u32 s1, $0x3;
	s30 =	sor.u32 s29, s17  }
0x1d: {  	s8 =	sadd.s32 s12, s8;
	s18 =	simm.s32 $0x80;
	s15 =	sshrl.u32 s30, $0x3  }
0x1e: {  	s17 =	simm.s32 $0x11000;
	s12 =	sadd.s32 s12, s15;
	s15 =	simm.s32 $0x1  }
.LBB2_10:
0x1f: {  	_ =	sdelay $0x1  }
0x20: {  	v2 =	vld [tilespmem:s23+$0x0]  }
0x21: {  	[tilespmem:s21+$0x11020] =	vst v1  }
0x22: {  	v0 =	vld.idx.msk [tilespmem:v0+s16+$0x0], $0xffff;
	_ =	sdelay $0x3  }
0x23: {  	v1 =	vld [tilespmem:s23+$0x10]  }
0x24: {  	[tilespmem:s21+$0x11030] =	vst v0  }
0x25: {  	v0 =	vld.idx.msk [tilespmem:v2+s16+$0x0], $0xffff;
	_ =	sdelay $0x3  }
0x26: {  	v62 =	vld [tilespmem:s23+$0x20]  }
0x27: {  	[tilespmem:s23+$0x11000] =	vst v0  }
0x28: {  	v1 =	vld.idx.msk [tilespmem:v1+s16+$0x0], $0xffff;
	_ =	sdelay $0x3  }
0x29: {  	v63 =	vld [tilespmem:s23+$0x30]  }
0x2a: {  	[tilespmem:s23+$0x11010] =	vst v1  }
0x2b: {  	v0 =	vld.idx.msk [tilespmem:v62+s16+$0x0], $0xffff;
	_ =	sdelay $0x4  }
0x2c: {  	[tilespmem:s23+$0x11020] =	vst v0  }
0x2d: {  	v0 =	vld.idx.msk [tilespmem:v63+s16+$0x0], $0xffff;
	_ =	sdelay $0x4  }
0x2e: {  	[tilespmem:s23+$0x11030] =	vst v0  }
0x2f: {  	[hbm4b:s13+s2] =	stream.linear.scatter [tilespmem:s17], [sflag:$0x1], $0x1000, $0x38;
	[tilespmem:$0x12000] =	vst v63  }
0x30: {  	_ =	swait.ge [sflag:s15], $0x1000  }
0x31: {  	[sflag:s15] =	ssyncset.done $0x0  }
0x32: {  	[sflag:s15] =	ssyncadd.s32 $0xFFFFF000  }
.LBB2_11:
0x33: {  	s20 =	sadd.s32 $0x1, s20  }
0x34: {  	p2 =	sne.s32 s20, s14  }
.Ltmp1:
0x35: {  	_ = 	snop;
	(pc) =	sbr.rel @!p2 .LBB2_12-.Ltmp1, $1  }
0x36: {  	_ =	sdelay $0x3  }
.LBB2_1:
0x37: {  	[tilespmem:s2], [sflag:$0x1] =	stream.linear.gather [hbm4b:s3+s2], $0x1000, $0x38;
	[tilespmem:$0x12000] =	vst v63  }
0x38: {  	_ =	swait.ge [sflag:s15], $0x1000  }
0x39: {  	[sflag:s15] =	ssyncset.done $0x0  }
0x3a: {  	[sflag:s15] =	ssyncadd.s32 $0xFFFFF000  }
0x3b: {  	[tilespmem:s16], [sflag:$0x1] =	stream.linear.gather [hbm4b:s4+s2], $0x10000, $0x38;
	[tilespmem:$0x12000] =	vst v63  }
0x3c: {  	_ =	swait.ge [sflag:s15], $0x10000  }
0x3d: {  	[sflag:s15] =	ssyncset.done $0x0  }
0x3e: {  	s21 =	simm.s32 $0x0;
	[sflag:s15] =	ssyncadd.s32 $0xFFFF0000  }
0x3f: {  	v0 =	vld [tilespmem:s21+$0x0];
	_ =	sdelay $0x5  }
0x40: {  	v1 =	vld [tilespmem:s21+$0x10];
	_ =	sdelay $0x1  }
0x41: {  	v0 =	vld.idx.msk [tilespmem:v0+s16+$0x0], $0xffff;
	_ =	sdelay $0x4  }
0x42: {  	v2 =	vld [tilespmem:s21+$0x20];
	[tilespmem:s21+$0x11000] =	vst v0  }
0x43: {  	v0 =	vld.idx.msk [tilespmem:v1+s16+$0x0], $0xffff;
	_ =	sdelay $0x4  }
0x44: {  	[tilespmem:s21+$0x11010] =	vst v0;
	v0 =	vld [tilespmem:s21+$0x30];
	_ =	sdelay $0x1  }
0x45: {  	v1 =	vld.idx.msk [tilespmem:v2+s16+$0x0], $0xffff;
	_ =	sdelay $0x3  }
0x46: {  	s23 =	simm.s32 $0x40;
	s22 =	simm.s32 $0x200  }
.LBB2_2:
0x47: {  	p2 =	sne.s32 s22, $0x3F00;
	v2 =	vld [tilespmem:s23+$0x0];
	[tilespmem:s21+$0x11020] =	vst v1  }
0x48: {  	v0 =	vld.idx.msk [tilespmem:v0+s16+$0x0], $0xffff;
	_ =	sdelay $0x5  }
0x49: {  	v1 =	vld [tilespmem:s23+$0x10];
	[tilespmem:s21+$0x11030] =	vst v0;
	s21 =	smov.u32 s23  }
0x4a: {  	v0 =	vld.idx.msk [tilespmem:v2+s16+$0x0], $0xffff;
	_ =	sdelay $0x5  }
0x4b: {  	[tilespmem:s21+$0x11000] =	vst v0;
	v2 =	vld [tilespmem:s21+$0x20]  }
0x4c: {  	v0 =	vld.idx.msk [tilespmem:v1+s16+$0x0], $0xffff;
	_ =	sdelay $0x5  }
0x4d: {  	[tilespmem:s21+$0x11010] =	vst v0;
	v0 =	vld [tilespmem:s21+$0x30]  }
0x4e: {  	v1 =	vld.idx.msk [tilespmem:v2+s16+$0x0], $0xffff  }
.Ltmp2:
0x4f: {  	(pc) =	sbr.rel @p2 .LBB2_2-.Ltmp2, $2  }
0x50: {  	_ =	sdelay $0x2  }
0x51: {  	s23 =	sshra.s32 s22, $0x2;
	s22 =	sadd.s32 $0x100, s22  }
0x52: {  	_ =	sdelay $0x1  }
0x53: {  	v2 =	vld [tilespmem:s23+$0x0]  }
0x54: {  	[tilespmem:s21+$0x11020] =	vst v1  }
0x55: {  	v0 =	vld.idx.msk [tilespmem:v0+s16+$0x0], $0xffff;
	_ =	sdelay $0x3  }
0x56: {  	v1 =	vld [tilespmem:s23+$0x10]  }
0x57: {  	[tilespmem:s21+$0x11030] =	vst v0  }
0x58: {  	v0 =	vld.idx.msk [tilespmem:v2+s16+$0x0], $0xffff;
	_ =	sdelay $0x4  }
0x59: {  	[tilespmem:s23+$0x11000] =	vst v0;
	v0 =	vld [tilespmem:s23+$0x20]  }
0x5a: {  	v1 =	vld.idx.msk [tilespmem:v1+s16+$0x0], $0xffff;
	_ =	sdelay $0x4  }
0x5b: {  	[tilespmem:s23+$0x11010] =	vst v1;
	v1 =	vld [tilespmem:s23+$0x30];
	_ =	sdelay $0x1  }
0x5c: {  	v0 =	vld.idx.msk [tilespmem:v0+s16+$0x0], $0xffff;
	_ =	sdelay $0x4  }
0x5d: {  	[tilespmem:s23+$0x11020] =	vst v0  }
0x5e: {  	v0 =	vld.idx.msk [tilespmem:v1+s16+$0x0], $0xffff;
	_ =	sdelay $0x4  }
0x5f: {  	[tilespmem:s23+$0x11030] =	vst v0  }
0x60: {  	[hbm4b:s5+s2] =	stream.linear.scatter [tilespmem:s17], [sflag:$0x1], $0x1000, $0x38;
	[tilespmem:$0x12000] =	vst v63  }
0x61: {  	_ =	swait.ge [sflag:s15], $0x1000  }
0x62: {  	[sflag:s15] =	ssyncset.done $0x0  }
0x63: {  	[sflag:s15] =	ssyncadd.s32 $0xFFFFF000  }
0x64: {  	[tilespmem:s2], [sflag:$0x1] =	stream.linear.gather [hbm4b:s6+s2], $0x1000, $0x38;
	[tilespmem:$0x12000] =	vst v63  }
0x65: {  	_ =	swait.ge [sflag:s15], $0x1000  }
0x66: {  	s22 =	simm.s32 @p0 $0x400;
	[sflag:s15] =	ssyncset.done $0x0  }
0x67: {  	s21 =	simm.s32 @p0 $0x80;
	s23 =	simm.s32 @p0 $0x1000;
	[sflag:s15] =	ssyncadd.s32 $0xFFFFF000  }
0x68: {  	[tilespmem:s23], [sflag:$0x1] =	stream.strided.gather @p0 [hbm4b:s8+s21], $0x10000, s22, s21, $0x38;
	[tilespmem:$0x12000] =	vst v63  }
0x69: {  	s21 =	simm.s32 @!p0 $0x0;
	s22 =	simm.s32 @!p0 $0x1000  }
0x6a: {  	[tilespmem:s22], [sflag:$0x1] =	stream.linear.gather @!p0 [hbm4b:s7+s21], $0x10000, $0x38;
	[tilespmem:$0x12000] =	vst v63  }
0x6b: {  	_ =	swait.ge [sflag:s15], $0x10000  }
0x6c: {  	[sflag:s15] =	ssyncset.done $0x0  }
0x6d: {  	s21 =	simm.s32 $0x0;
	[sflag:s15] =	ssyncadd.s32 $0xFFFF0000  }
0x6e: {  	v0 =	vld [tilespmem:s21+$0x0];
	_ =	sdelay $0x5  }
0x6f: {  	v1 =	vld [tilespmem:s21+$0x10];
	_ =	sdelay $0x1  }
0x70: {  	v0 =	vld.idx.msk [tilespmem:v0+s16+$0x0], $0xffff;
	_ =	sdelay $0x4  }
0x71: {  	v2 =	vld [tilespmem:s21+$0x20];
	[tilespmem:s21+$0x11000] =	vst v0  }
0x72: {  	v0 =	vld.idx.msk [tilespmem:v1+s16+$0x0], $0xffff;
	_ =	sdelay $0x4  }
0x73: {  	[tilespmem:s21+$0x11010] =	vst v0;
	v0 =	vld [tilespmem:s21+$0x30];
	_ =	sdelay $0x1  }
0x74: {  	v1 =	vld.idx.msk [tilespmem:v2+s16+$0x0], $0xffff;
	_ =	sdelay $0x3  }
0x75: {  	s23 =	simm.s32 $0x40;
	s22 =	simm.s32 $0x200  }
.LBB2_4:
0x76: {  	p2 =	sne.s32 s22, $0x3F00;
	v2 =	vld [tilespmem:s23+$0x0];
	[tilespmem:s21+$0x11020] =	vst v1  }
0x77: {  	v0 =	vld.idx.msk [tilespmem:v0+s16+$0x0], $0xffff;
	_ =	sdelay $0x5  }
0x78: {  	v1 =	vld [tilespmem:s23+$0x10];
	[tilespmem:s21+$0x11030] =	vst v0;
	s21 =	smov.u32 s23  }
0x79: {  	v0 =	vld.idx.msk [tilespmem:v2+s16+$0x0], $0xffff;
	_ =	sdelay $0x5  }
0x7a: {  	[tilespmem:s21+$0x11000] =	vst v0;
	v2 =	vld [tilespmem:s21+$0x20]  }
0x7b: {  	v0 =	vld.idx.msk [tilespmem:v1+s16+$0x0], $0xffff;
	_ =	sdelay $0x5  }
0x7c: {  	[tilespmem:s21+$0x11010] =	vst v0;
	v0 =	vld [tilespmem:s21+$0x30]  }
0x7d: {  	v1 =	vld.idx.msk [tilespmem:v2+s16+$0x0], $0xffff  }
.Ltmp3:
0x7e: {  	(pc) =	sbr.rel @p2 .LBB2_4-.Ltmp3, $2  }
0x7f: {  	_ =	sdelay $0x2  }
0x80: {  	s23 =	sshra.s32 s22, $0x2;
	s22 =	sadd.s32 $0x100, s22  }
0x81: {  	_ =	sdelay $0x1  }
0x82: {  	v2 =	vld [tilespmem:s23+$0x0]  }
0x83: {  	[tilespmem:s21+$0x11020] =	vst v1  }
0x84: {  	v0 =	vld.idx.msk [tilespmem:v0+s16+$0x0], $0xffff;
	_ =	sdelay $0x3  }
0x85: {  	v1 =	vld [tilespmem:s23+$0x10]  }
0x86: {  	[tilespmem:s21+$0x11030] =	vst v0  }
0x87: {  	v0 =	vld.idx.msk [tilespmem:v2+s16+$0x0], $0xffff;
	_ =	sdelay $0x3  }
0x88: {  	v62 =	vld [tilespmem:s23+$0x20]  }
0x89: {  	[tilespmem:s23+$0x11000] =	vst v0  }
0x8a: {  	v1 =	vld.idx.msk [tilespmem:v1+s16+$0x0], $0xffff;
	_ =	sdelay $0x3  }
0x8b: {  	v63 =	vld [tilespmem:s23+$0x30]  }
0x8c: {  	[tilespmem:s23+$0x11010] =	vst v1  }
0x8d: {  	v0 =	vld.idx.msk [tilespmem:v62+s16+$0x0], $0xffff;
	_ =	sdelay $0x4  }
0x8e: {  	[tilespmem:s23+$0x11020] =	vst v0  }
0x8f: {  	v0 =	vld.idx.msk [tilespmem:v63+s16+$0x0], $0xffff  }
.Ltmp4:
0x90: {  	_ = 	snop;
	(pc) =	sbr.rel @!p0 .LBB2_6-.Ltmp4, $2  }
0x91: {  	_ =	sdelay $0x2  }
0x92: {  	[tilespmem:s23+$0x11030] =	vst v0  }
0x93: {  	[hbm4b:s10+s2] =	stream.linear.scatter [tilespmem:s17], [sflag:$0x1], $0x1000, $0x38;
	[tilespmem:$0x12000] =	vst v63  }
.Ltmp5:
0x94: {  	_ = 	snop;
	(pc) =	sbr.rel @p1 .LBB2_11-.Ltmp5, $4  }
.Ltmp6:
0x95: {  	_ = 	snop;
	(pc) =	sbr.rel @!p1 .LBB2_8-.Ltmp6, $4  }
0x96: {  	_ =	swait.ge [sflag:s15], $0x1000  }
0x97: {  	[sflag:s15] =	ssyncset.done $0x0  }
0x98: {  	[sflag:s15] =	ssyncadd.s32 $0xFFFFF000  }
0x99: {  	_ = 	snop  }
.LBB2_6:
0x9a: {  	[hbm4b:s9+s2] =	stream.linear.scatter [tilespmem:s17], [sflag:$0x1], $0x1000, $0x38;
	[tilespmem:$0x12000] =	vst v63  }
0x9b: {  	_ =	swait.ge [sflag:s15], $0x1000  }
0x9c: {  	[sflag:s15] =	ssyncset.done $0x0  }
0x9d: {  	[sflag:s15] =	ssyncadd.s32 $0xFFFFF000  }
.LBB2_8:
0x9e: {  	s21 =	simm.s32 $0x0  }
0x9f: {  	[tilespmem:s21], [sflag:$0x1] =	stream.linear.gather [hbm4b:s11+s21], $0x1000, $0x38;
	[tilespmem:$0x12000] =	vst v63  }
0xa0: {  	_ =	swait.ge [sflag:s15], $0x1000  }
0xa1: {  	[sflag:s15] =	ssyncset.done $0x0  }
0xa2: {  	[sflag:s15] =	ssyncadd.s32 $0xFFFFF000  }
0xa3: {  	[tilespmem:s16], [sflag:$0x1] =	stream.strided.gather [hbm4b:s12+s18], $0x10000, s19, s18, $0x38;
	[tilespmem:$0x12000] =	vst v63  }
0xa4: {  	_ =	swait.ge [sflag:s15], $0x10000  }
0xa5: {  	[sflag:s15] =	ssyncset.done $0x0  }
0xa6: {  	s21 =	simm.s32 $0x0;
	[sflag:s15] =	ssyncadd.s32 $0xFFFF0000  }
0xa7: {  	v0 =	vld [tilespmem:s21+$0x0];
	_ =	sdelay $0x5  }
0xa8: {  	v1 =	vld [tilespmem:s21+$0x10];
	_ =	sdelay $0x1  }
0xa9: {  	v0 =	vld.idx.msk [tilespmem:v0+s16+$0x0], $0xffff;
	_ =	sdelay $0x4  }
0xaa: {  	v2 =	vld [tilespmem:s21+$0x20];
	[tilespmem:s21+$0x11000] =	vst v0  }
0xab: {  	v0 =	vld.idx.msk [tilespmem:v1+s16+$0x0], $0xffff;
	_ =	sdelay $0x4  }
0xac: {  	[tilespmem:s21+$0x11010] =	vst v0;
	v0 =	vld [tilespmem:s21+$0x30];
	_ =	sdelay $0x1  }
0xad: {  	v1 =	vld.idx.msk [tilespmem:v2+s16+$0x0], $0xffff;
	_ =	sdelay $0x3  }
0xae: {  	s23 =	simm.s32 $0x40;
	s22 =	simm.s32 $0x200  }
.LBB2_9:
0xaf: {  	p2 =	sne.s32 s22, $0x3F00;
	v2 =	vld [tilespmem:s23+$0x0];
	[tilespmem:s21+$0x11020] =	vst v1  }
0xb0: {  	v0 =	vld.idx.msk [tilespmem:v0+s16+$0x0], $0xffff;
	_ =	sdelay $0x5  }
0xb1: {  	v1 =	vld [tilespmem:s23+$0x10];
	[tilespmem:s21+$0x11030] =	vst v0;
	s21 =	smov.u32 s23  }
0xb2: {  	v0 =	vld.idx.msk [tilespmem:v2+s16+$0x0], $0xffff;
	_ =	sdelay $0x5  }
0xb3: {  	[tilespmem:s21+$0x11000] =	vst v0;
	v2 =	vld [tilespmem:s21+$0x20]  }
0xb4: {  	v0 =	vld.idx.msk [tilespmem:v1+s16+$0x0], $0xffff;
	_ =	sdelay $0x5  }
0xb5: {  	[tilespmem:s21+$0x11010] =	vst v0;
	v0 =	vld [tilespmem:s21+$0x30]  }
0xb6: {  	v1 =	vld.idx.msk [tilespmem:v2+s16+$0x0], $0xffff  }
.Ltmp7:
0xb7: {  	(pc) =	sbr.rel @p2 .LBB2_9-.Ltmp7, $2  }
0xb8: {  	_ =	sdelay $0x2  }
0xb9: {  	s23 =	sshra.s32 s22, $0x2;
	s22 =	sadd.s32 $0x100, s22  }
.Ltmp8:
0xba: {  	_ = 	snop;
	(pc) =	sbr.rel .LBB2_10-.Ltmp8, $1  }
0xbb: {  	_ =	sdelay $0x3  }
.LBB2_12:
0xbc: {  	_ =	sfence.sel $0x180000  }
0xbd: {  	[bflag:$0x0] =	sbarrier.arrive $0xFFFF  }
0xbe: {  	p0 =	sne.s32 s1, $0x0;
	_ =	strace $0x90000047  }
0xbf: {  	s0 =	sadd.s32 @!p0 $0x100000, s0;
	[bflag:$0x2] =	sbarrier.arrive $0xFFFF  }
0xc0: {  	[sflag:s0] =	ssyncadd.tile.s32 @!p0 $0x1;
	_ =	shalt  }
.Lfunc_end2:
_tile_overlayer_lowered:
.L_overlay_start_2:
0xc1: {  	(tag) =	ssettag $0x2  }
0xc2: {  	s0 =	rddreg [dreg:$0x0];
	s2 =	stileid.u32  }
0xc3: {  	s1 =	rddreg [dreg:$0x1];
	p0 =	sne.s32 s2, $0x0  }
0xc4: {  	s3 =	rddreg [dreg:$0x2];
	[bflag:$0x3] =	sbarrier.arrive $0xFFFF;
	s2 =	simm.s32 @!p0 $0x1C01  }
0xc5: {  	[timem:s3], [sflag:s2] =	dma.local @!p0 [hbm:s0], s1  }
0xc6: {  	s0 =	simm.s32 @!p0 $0x1  }
0xc7: {  	_ =	swait.ge @!p0 [sflag:s0], s1  }
0xc8: {  	s1 =	ssub.s32 @!p0 $0x0, s1;
	[sflag:s0] =	ssyncset.done @!p0 $0x0  }
0xc9: {  	[sflag:s0] =	ssyncadd.s32 @!p0 s1  }
0xca: {  	[bflag:$0x3] =	sbarrier.arrive $0xFFFF  }
0xcb: {  	_ =	shalt  }

</sc_bundles>
